<compile_context>
chip_gen: v7x
topology: tpu7x:2x2x1
jax: 0.10.2.dev20260603
libtpu: 0.0.44.dev20260713+nightly
codegen_flags: <defaults>
</compile_context>

<pallas_src>
import functools

import jax
import jax.numpy as jnp
from jax import lax
from jax.experimental import pallas as pl
from jax.experimental.pallas import tpu as pltpu
from jax.experimental.pallas import tpu_sc as plsc

LANES = 16
NC, NS = 2, 16
NW = NC * NS


@functools.lru_cache(maxsize=None)
def _make_sc_pool(B, L, V, D):
    assert B % NW == 0 and D % LANES == 0
    rows_per_w = B // NW
    CB = 32
    while rows_per_w % CB:
        CB //= 2
    nch = rows_per_w // CB
    idxc = CB * L
    nhalf = D // LANES

    mesh = plsc.VectorSubcoreMesh(core_axis_name="c", subcore_axis_name="s")

    @functools.partial(
        pl.kernel,
        out_type=jax.ShapeDtypeStruct((B, D), jnp.float32),
        mesh=mesh,
        compiler_params=pltpu.CompilerParams(use_tc_tiling_on_sc=False),
        scratch_types=[
            pltpu.VMEM((idxc,), jnp.int32),
            pltpu.VMEM((idxc,), jnp.int32),
            pltpu.VMEM((idxc, D), jnp.float32),
            pltpu.VMEM((idxc, D), jnp.float32),
            pltpu.VMEM((CB, D), jnp.float32),
            pltpu.SemaphoreType.DMA,
            pltpu.SemaphoreType.DMA,
        ],
    )
    def sc_pool(x_hbm, table_hbm, out_hbm, idx_a, idx_b, rows_a, rows_b,
                acc_v, sem_a, sem_b):
        wid = lax.axis_index("s") * NC + lax.axis_index("c")
        base_row = wid * rows_per_w
        idxs = (idx_a, idx_b)
        rows = (rows_a, rows_b)
        sems = (sem_a, sem_b)

        def start(c, buf):
            row0 = base_row + c * CB
            pltpu.sync_copy(x_hbm.at[pl.ds(row0 * L, idxc)], idxs[buf])
            pltpu.async_copy(table_hbm.at[idxs[buf]], rows[buf], sems[buf])

        def finish(c, buf):
            pltpu.make_async_copy(
                table_hbm.at[idxs[buf]], rows[buf], sems[buf]
            ).wait()
            rows_v = rows[buf]

            def one_row(i, carry2):
                j0 = i * L
                for h in range(nhalf):
                    sl = pl.ds(h * LANES, LANES)
                    a0 = rows_v[j0, sl]
                    a1 = rows_v[j0 + 1, sl]
                    for l in range(2, L - 1, 2):
                        a0 = a0 + rows_v[j0 + l, sl]
                        a1 = a1 + rows_v[j0 + l + 1, sl]
                    if L % 2:
                        a0 = a0 + rows_v[j0 + L - 1, sl]
                    acc_v[i, sl] = a0 + a1
                return carry2

            lax.fori_loop(0, CB, one_row, 0)
            row0 = base_row + c * CB
            pltpu.sync_copy(acc_v, out_hbm.at[pl.ds(row0, CB), :])

        start(0, 0)

        def step(c, carry):
            par = c % 2

            @pl.when((c + 1 < nch) & (par == 1))
            def _():
                start(c + 1, 0)

            @pl.when((c + 1 < nch) & (par == 0))
            def _():
                start(c + 1, 1)

            @pl.when(par == 0)
            def _():
                finish(c, 0)

            @pl.when(par == 1)
            def _():
                finish(c, 1)

            return carry

        lax.fori_loop(0, nch, step, 0)

    return sc_pool


@functools.lru_cache(maxsize=None)
def _make_tc_matmul(B, D, N):
    BM = 2048
    while B % BM:
        BM //= 2

    def body(w_ref, s_ref, b_ref, o_ref):
        o_ref[...] = (
            lax.dot_general(
                w_ref[...], s_ref[...],
                (((1,), (1,)), ((), ())),
                preferred_element_type=jnp.float32,
            )
            + b_ref[...]
        )

    return pl.pallas_call(
        body,
        grid=(B // BM,),
        in_specs=[
            pl.BlockSpec((N, D), lambda i: (0, 0)),
            pl.BlockSpec((BM, D), lambda i: (i, 0)),
            pl.BlockSpec((N, 1), lambda i: (0, 0)),
        ],
        out_specs=pl.BlockSpec((N, BM), lambda i: (0, i)),
        out_shape=jax.ShapeDtypeStruct((N, B), jnp.float32),
    )


def kernel(x, table, W, b):
    B, L = x.shape
    V, D = table.shape
    N, _ = W.shape
    s = _make_sc_pool(B, L, V, D)(x.reshape(-1), table)
    return _make_tc_matmul(B, D, N)(W, s, b.reshape(N, 1)).T

# --- scband reference (transcript-rebuilt; emitter-appended) ---
"""Pipeline reference for scband-model-no-dict-5437428597308 (READ-ONLY COPY).

The authoritative reference and input builder live on the scoring server;
editing this copy changes nothing except your own understanding.
"""

import jax, jax.numpy as jnp
import numpy as np

MAX_WORDS = 1000000
EMB_DIM = 32
N_CLASSES = 1000
B = 16384
L = 50


def setup_inputs(seed: int = 0) -> dict:
    key = jax.random.key(seed)
    k1, k2, k3 = jax.random.split(key, 3)
    # token indices (any int values; forward applies modulo vocab size)
    x = jax.random.randint(k1, (B, L), 0, MAX_WORDS, dtype=jnp.int32)
    # embedding table: normal(std=0.05), row 0 (padding_idx) forced to zero
    table = jax.random.normal(k2, (MAX_WORDS, EMB_DIM), dtype=jnp.float32) * 0.05
    table = table.at[0].set(0.0)
    # fc1 weights: xavier uniform, bias constant 0
    limit = float(np.sqrt(6.0 / (EMB_DIM + N_CLASSES)))
    W = jax.random.uniform(k3, (N_CLASSES, EMB_DIM), dtype=jnp.float32, minval=-limit, maxval=limit)
    b = jnp.zeros((N_CLASSES,), dtype=jnp.float32)
    return {"x": x, "table": table, "W": W, "b": b}


def reference(x, table, W, b):
    # torch forward: x = x % maxWords - 1 + 1 == x % maxWords (padding path is a no-op arithmetically)
    idx = x % MAX_WORDS
    # embedding lookup (padding row 0 is all-zero in the table)
    emb = jnp.take(table, idx, axis=0)          # [B, L, EMB_DIM]
    # text_embedding: sum word embeddings over the sequence dim
    s = jnp.sum(emb, axis=1)                    # [B, EMB_DIM]
    # fc1
    out = s @ W.T + b                           # [B, N_CLASSES]
    return out

if __name__ == "__main__":
    import jax
    _d = setup_inputs()
    print(jax.jit(kernel)(*tuple(_d.values())))

</pallas_src>

<mosaic_0001>
#map = affine_map<(d0, d1) -> (0)>
#map1 = affine_map<(d0, d1) -> (0, 0)>
module attributes {stable_mosaic.version = 14 : i64} {
  func.func @sc_pool(%arg0: i32, %arg1: i32, %arg2: memref<819200xi32, #tpu.memory_space<hbm>>, %arg3: memref<1000000x32xf32, #tpu.memory_space<hbm>>, %arg4: memref<16384x32xf32, #tpu.memory_space<hbm>>, %arg5: memref<1600xi32, #tpu.memory_space<vmem>>, %arg6: memref<1600xi32, #tpu.memory_space<vmem>>, %arg7: memref<1600x32xf32, #tpu.memory_space<vmem>>, %arg8: memref<1600x32xf32, #tpu.memory_space<vmem>>, %arg9: memref<32x32xf32, #tpu.memory_space<vmem>>, %arg10: memref<!tpu.dma_semaphore, #tpu.memory_space<semaphore_mem>>, %arg11: memref<!tpu.dma_semaphore, #tpu.memory_space<semaphore_mem>>) attributes {dimension_semantics = [#tpu.dimension_semantics<core_parallel>, #tpu.dimension_semantics<subcore_parallel>], iteration_bounds = array<i64: 2, 16>, scalar_prefetch = 0 : i64, scratch_operands = 7 : i64, tpu.core_type = #tpu.core_type<sc_vector_subcore>, window_params = [{transform_indices = #map}, {transform_indices = #map1}, {transform_indices = #map1}]} {
    %mul3A = arith.constant 2 : i32
    %mul3A_0 = arith.muli %arg1, %mul3A : i32
    %add3A = arith.addi %mul3A_0, %arg0 : i32
    %mul3A_1 = arith.constant 512 : i32
    %mul3A_2 = arith.muli %add3A, %mul3A_1 : i32
    %add3A_3 = arith.constant 0 : i32
    %add3A_4 = arith.addi %mul3A_2, %add3A_3 : i32
    %mul3A_5 = arith.constant 50 : i32
    %mul3A_6 = arith.muli %add3A_4, %mul3A_5 : i32
    "tpu.region"() ({
      %run_scoped3A = tpu.sem_alloc : memref<!tpu.dma_semaphore, #tpu.memory_space<semaphore_mem>>
      %dma_start3A_14 = tpu.memref_slice %arg2[%mul3A_6] : memref<819200xi32, #tpu.memory_space<hbm>> -> memref<1600xi32, #tpu.memory_space<hbm>>
      %dma_start3A_15 = tpu.memref_slice %arg2[%mul3A_6] : memref<819200xi32, #tpu.memory_space<hbm>> -> memref<1600xi32, #tpu.memory_space<hbm>>
      tpu.enqueue_dma source(%dma_start3A_15 : memref<1600xi32, #tpu.memory_space<hbm>>) target(%arg5 : memref<1600xi32, #tpu.memory_space<vmem>>) target_semaphore(%run_scoped3A : memref<!tpu.dma_semaphore, #tpu.memory_space<semaphore_mem>>)
      %dma_wait3A = tpu.memref_slice %arg2[%mul3A_6] : memref<819200xi32, #tpu.memory_space<hbm>> -> memref<1600xi32, #tpu.memory_space<hbm>>
      %dma_wait3A_16 = tpu.memref_slice %arg2[%mul3A_6] : memref<819200xi32, #tpu.memory_space<hbm>> -> memref<1600xi32, #tpu.memory_space<hbm>>
      tpu.wait_dma2 semaphore(%run_scoped3A : memref<!tpu.dma_semaphore, #tpu.memory_space<semaphore_mem>>) src(%dma_wait3A_16 : memref<1600xi32, #tpu.memory_space<hbm>>) dst(%arg5 : memref<1600xi32, #tpu.memory_space<vmem>>)
      tpu.yield
    }) : () -> ()
    %dma_start3A = arith.constant 0 : i32
    %dma_start3A_7 = arith.constant 0 : i32
    %dma_start3A_8 = tpu.memref_slice %arg3[%dma_start3A, %dma_start3A_7] : memref<1000000x32xf32, #tpu.memory_space<hbm>> -> memref<1000000x32xf32, #tpu.memory_space<hbm>>
    tpu.enqueue_indirect_dma source(%dma_start3A_8 : memref<1000000x32xf32, #tpu.memory_space<hbm>>) target(%arg7 : memref<1600x32xf32, #tpu.memory_space<vmem>>) offsets(%arg5 : memref<1600xi32, #tpu.memory_space<vmem>>) semaphore(%arg10 : memref<!tpu.dma_semaphore, #tpu.memory_space<semaphore_mem>>)
    %scan3A = arith.constant 0 : i32
    %scan3A_9 = arith.constant 0 : i32
    %scan3A_10 = arith.constant 16 : i32
    %scan3A_11 = arith.addi %scan3A_9, %scan3A_10 : i32
    %scan3A_12 = arith.constant 1 : i32
    scf.for %scan3A_14 = %scan3A_9 to %scan3A_11 step %scan3A_12  : i32 {
      %jit3A = arith.constant 2 : i32
      %eq3A = arith.constant 0 : i32
      %eq3A_15 = arith.cmpi eq, %jit3A, %eq3A : i32
      %jit3A_16 = arith.constant 1 : i32
      %select_n3A = arith.select %eq3A_15, %jit3A_16, %jit3A : i32
      %rem3A = arith.remsi %scan3A_14, %select_n3A : i32
      %ne3A = arith.constant 0 : i32
      %ne3A_17 = arith.cmpi ne, %rem3A, %ne3A : i32
      %lt3A = arith.constant 0 : i32
      %lt3A_18 = arith.cmpi slt, %rem3A, %lt3A : i32
      %lt3A_19 = arith.constant 0 : i32
      %lt3A_20 = arith.cmpi slt, %select_n3A, %lt3A_19 : i32
      %ne3A_21 = arith.xori %lt3A_18, %lt3A_20 : i1
      %and3A = arith.andi %ne3A_21, %ne3A_17 : i1
      %add3A_22 = arith.addi %rem3A, %select_n3A : i32
      %select_n3A_23 = arith.select %and3A, %add3A_22, %rem3A : i32
      %add3A_24 = arith.constant 1 : i32
      %add3A_25 = arith.addi %scan3A_14, %add3A_24 : i32
      %lt3A_26 = arith.constant 16 : i32
      %lt3A_27 = arith.cmpi slt, %add3A_25, %lt3A_26 : i32
      %eq3A_28 = arith.constant 1 : i32
      %eq3A_29 = arith.cmpi eq, %select_n3A_23, %eq3A_28 : i32
      %and3A_30 = arith.andi %lt3A_27, %eq3A_29 : i1
      %convert_element_type3A = arith.extui %and3A_30 : i1 to i32
      %cond3A = arith.constant 0 : i32
      %cond3A_31 = arith.cmpi ne, %convert_element_type3A, %cond3A : i32
      scf.if %cond3A_31 {
        %add3A_52 = arith.constant 1 : i32
        %add3A_53 = arith.addi %scan3A_14, %add3A_52 : i32
        %mul3A_54 = arith.constant 32 : i32
        %mul3A_55 = arith.muli %add3A_53, %mul3A_54 : i32
        %add3A_56 = arith.addi %mul3A_2, %mul3A_55 : i32
        %mul3A_57 = arith.constant 50 : i32
        %mul3A_58 = arith.muli %add3A_56, %mul3A_57 : i32
        "tpu.region"() ({
          %run_scoped3A = tpu.sem_alloc : memref<!tpu.dma_semaphore, #tpu.memory_space<semaphore_mem>>
          %dma_start3A_62 = tpu.memref_slice %arg2[%mul3A_58] : memref<819200xi32, #tpu.memory_space<hbm>> -> memref<1600xi32, #tpu.memory_space<hbm>>
          %dma_start3A_63 = tpu.memref_slice %arg2[%mul3A_58] : memref<819200xi32, #tpu.memory_space<hbm>> -> memref<1600xi32, #tpu.memory_space<hbm>>
          tpu.enqueue_dma source(%dma_start3A_63 : memref<1600xi32, #tpu.memory_space<hbm>>) target(%arg5 : memref<1600xi32, #tpu.memory_space<vmem>>) target_semaphore(%run_scoped3A : memref<!tpu.dma_semaphore, #tpu.memory_space<semaphore_mem>>)
          %dma_wait3A = tpu.memref_slice %arg2[%mul3A_58] : memref<819200xi32, #tpu.memory_space<hbm>> -> memref<1600xi32, #tpu.memory_space<hbm>>
          %dma_wait3A_64 = tpu.memref_slice %arg2[%mul3A_58] : memref<819200xi32, #tpu.memory_space<hbm>> -> memref<1600xi32, #tpu.memory_space<hbm>>
          tpu.wait_dma2 semaphore(%run_scoped3A : memref<!tpu.dma_semaphore, #tpu.memory_space<semaphore_mem>>) src(%dma_wait3A_64 : memref<1600xi32, #tpu.memory_space<hbm>>) dst(%arg5 : memref<1600xi32, #tpu.memory_space<vmem>>)
          tpu.yield
        }) : () -> ()
        %dma_start3A_59 = arith.constant 0 : i32
        %dma_start3A_60 = arith.constant 0 : i32
        %dma_start3A_61 = tpu.memref_slice %arg3[%dma_start3A_59, %dma_start3A_60] : memref<1000000x32xf32, #tpu.memory_space<hbm>> -> memref<1000000x32xf32, #tpu.memory_space<hbm>>
        tpu.enqueue_indirect_dma source(%dma_start3A_61 : memref<1000000x32xf32, #tpu.memory_space<hbm>>) target(%arg7 : memref<1600x32xf32, #tpu.memory_space<vmem>>) offsets(%arg5 : memref<1600xi32, #tpu.memory_space<vmem>>) semaphore(%arg10 : memref<!tpu.dma_semaphore, #tpu.memory_space<semaphore_mem>>)
      } else {
      }
      %add3A_32 = arith.constant 1 : i32
      %add3A_33 = arith.addi %scan3A_14, %add3A_32 : i32
      %lt3A_34 = arith.constant 16 : i32
      %lt3A_35 = arith.cmpi slt, %add3A_33, %lt3A_34 : i32
      %eq3A_36 = arith.constant 0 : i32
      %eq3A_37 = arith.cmpi eq, %select_n3A_23, %eq3A_36 : i32
      %and3A_38 = arith.andi %lt3A_35, %eq3A_37 : i1
      %convert_element_type3A_39 = arith.extui %and3A_38 : i1 to i32
      %cond3A_40 = arith.constant 0 : i32
      %cond3A_41 = arith.cmpi ne, %convert_element_type3A_39, %cond3A_40 : i32
      scf.if %cond3A_41 {
        %add3A_52 = arith.constant 1 : i32
        %add3A_53 = arith.addi %scan3A_14, %add3A_52 : i32
        %mul3A_54 = arith.constant 32 : i32
        %mul3A_55 = arith.muli %add3A_53, %mul3A_54 : i32
        %add3A_56 = arith.addi %mul3A_2, %mul3A_55 : i32
        %mul3A_57 = arith.constant 50 : i32
        %mul3A_58 = arith.muli %add3A_56, %mul3A_57 : i32
        "tpu.region"() ({
          %run_scoped3A = tpu.sem_alloc : memref<!tpu.dma_semaphore, #tpu.memory_space<semaphore_mem>>
          %dma_start3A_62 = tpu.memref_slice %arg2[%mul3A_58] : memref<819200xi32, #tpu.memory_space<hbm>> -> memref<1600xi32, #tpu.memory_space<hbm>>
          %dma_start3A_63 = tpu.memref_slice %arg2[%mul3A_58] : memref<819200xi32, #tpu.memory_space<hbm>> -> memref<1600xi32, #tpu.memory_space<hbm>>
          tpu.enqueue_dma source(%dma_start3A_63 : memref<1600xi32, #tpu.memory_space<hbm>>) target(%arg6 : memref<1600xi32, #tpu.memory_space<vmem>>) target_semaphore(%run_scoped3A : memref<!tpu.dma_semaphore, #tpu.memory_space<semaphore_mem>>)
          %dma_wait3A = tpu.memref_slice %arg2[%mul3A_58] : memref<819200xi32, #tpu.memory_space<hbm>> -> memref<1600xi32, #tpu.memory_space<hbm>>
          %dma_wait3A_64 = tpu.memref_slice %arg2[%mul3A_58] : memref<819200xi32, #tpu.memory_space<hbm>> -> memref<1600xi32, #tpu.memory_space<hbm>>
          tpu.wait_dma2 semaphore(%run_scoped3A : memref<!tpu.dma_semaphore, #tpu.memory_space<semaphore_mem>>) src(%dma_wait3A_64 : memref<1600xi32, #tpu.memory_space<hbm>>) dst(%arg6 : memref<1600xi32, #tpu.memory_space<vmem>>)
          tpu.yield
        }) : () -> ()
        %dma_start3A_59 = arith.constant 0 : i32
        %dma_start3A_60 = arith.constant 0 : i32
        %dma_start3A_61 = tpu.memref_slice %arg3[%dma_start3A_59, %dma_start3A_60] : memref<1000000x32xf32, #tpu.memory_space<hbm>> -> memref<1000000x32xf32, #tpu.memory_space<hbm>>
        tpu.enqueue_indirect_dma source(%dma_start3A_61 : memref<1000000x32xf32, #tpu.memory_space<hbm>>) target(%arg8 : memref<1600x32xf32, #tpu.memory_space<vmem>>) offsets(%arg6 : memref<1600xi32, #tpu.memory_space<vmem>>) semaphore(%arg11 : memref<!tpu.dma_semaphore, #tpu.memory_space<semaphore_mem>>)
      } else {
      }
      %eq3A_42 = arith.constant 0 : i32
      %eq3A_43 = arith.cmpi eq, %select_n3A_23, %eq3A_42 : i32
      %convert_element_type3A_44 = arith.extui %eq3A_43 : i1 to i32
      %cond3A_45 = arith.constant 0 : i32
      %cond3A_46 = arith.cmpi ne, %convert_element_type3A_44, %cond3A_45 : i32
      scf.if %cond3A_46 {
        %dma_wait3A = arith.constant 0 : i32
        %dma_wait3A_52 = arith.constant 0 : i32
        %dma_wait3A_53 = tpu.memref_slice %arg3[%dma_wait3A, %dma_wait3A_52] : memref<1000000x32xf32, #tpu.memory_space<hbm>> -> memref<1000000x32xf32, #tpu.memory_space<hbm>>
        tpu.wait_indirect_dma semaphore(%arg10 : memref<!tpu.dma_semaphore, #tpu.memory_space<semaphore_mem>>) src(%dma_wait3A_53 : memref<1000000x32xf32, #tpu.memory_space<hbm>>) dst(%arg7 : memref<1600x32xf32, #tpu.memory_space<vmem>>)
        %scan3A_54 = arith.constant 0 : i32
        %scan3A_55 = arith.constant 0 : i32
        %scan3A_56 = arith.constant 32 : i32
        %scan3A_57 = arith.addi %scan3A_55, %scan3A_56 : i32
        %scan3A_58 = arith.constant 1 : i32
        scf.for %scan3A_63 = %scan3A_55 to %scan3A_57 step %scan3A_58  : i32 {
          %mul3A_64 = arith.constant 50 : i32
          %mul3A_65 = arith.muli %scan3A_63, %mul3A_64 : i32
          %get3A = arith.index_cast %mul3A_65 : i32 to index
          %get3A_66 = arith.constant 0 : index
          %get3A_67 = tpu.vector_load %arg7[%get3A, %get3A_66] {strides = array<i32>} : memref<1600x32xf32, #tpu.memory_space<vmem>>, vector<1x16xf32>,
          %get3A_68 = vector.shape_cast %get3A_67 : vector<1x16xf32> to vector<16xf32>
          %add3A_69 = arith.constant 1 : i32
          %add3A_70 = arith.addi %mul3A_65, %add3A_69 : i32
          %get3A_71 = arith.index_cast %add3A_70 : i32 to index
          %get3A_72 = arith.constant 0 : index
          %get3A_73 = tpu.vector_load %arg7[%get3A_71, %get3A_72] {strides = array<i32>} : memref<1600x32xf32, #tpu.memory_space<vmem>>, vector<1x16xf32>,
          %get3A_74 = vector.shape_cast %get3A_73 : vector<1x16xf32> to vector<16xf32>
          %add3A_75 = arith.constant 2 : i32
          %add3A_76 = arith.addi %mul3A_65, %add3A_75 : i32
          %get3A_77 = arith.index_cast %add3A_76 : i32 to index
          %get3A_78 = arith.constant 0 : index
          %get3A_79 = tpu.vector_load %arg7[%get3A_77, %get3A_78] {strides = array<i32>} : memref<1600x32xf32, #tpu.memory_space<vmem>>, vector<1x16xf32>,
          %get3A_80 = vector.shape_cast %get3A_79 : vector<1x16xf32> to vector<16xf32>
          %add3A_81 = arith.addf %get3A_68, %get3A_80 : vector<16xf32>
          %add3A_82 = arith.constant 2 : i32
          %add3A_83 = arith.addi %mul3A_65, %add3A_82 : i32
          %add3A_84 = arith.constant 1 : i32
          %add3A_85 = arith.addi %add3A_83, %add3A_84 : i32
          %get3A_86 = arith.index_cast %add3A_85 : i32 to index
          %get3A_87 = arith.constant 0 : index
          %get3A_88 = tpu.vector_load %arg7[%get3A_86, %get3A_87] {strides = array<i32>} : memref<1600x32xf32, #tpu.memory_space<vmem>>, vector<1x16xf32>,
          %get3A_89 = vector.shape_cast %get3A_88 : vector<1x16xf32> to vector<16xf32>
          %add3A_90 = arith.addf %get3A_74, %get3A_89 : vector<16xf32>
          %add3A_91 = arith.constant 4 : i32
          %add3A_92 = arith.addi %mul3A_65, %add3A_91 : i32
          %get3A_93 = arith.index_cast %add3A_92 : i32 to index
          %get3A_94 = arith.constant 0 : index
          %get3A_95 = tpu.vector_load %arg7[%get3A_93, %get3A_94] {strides = array<i32>} : memref<1600x32xf32, #tpu.memory_space<vmem>>, vector<1x16xf32>,
          %get3A_96 = vector.shape_cast %get3A_95 : vector<1x16xf32> to vector<16xf32>
          %add3A_97 = arith.addf %add3A_81, %get3A_96 : vector<16xf32>
          %add3A_98 = arith.constant 4 : i32
          %add3A_99 = arith.addi %mul3A_65, %add3A_98 : i32
          %add3A_100 = arith.constant 1 : i32
          %add3A_101 = arith.addi %add3A_99, %add3A_100 : i32
          %get3A_102 = arith.index_cast %add3A_101 : i32 to index
          %get3A_103 = arith.constant 0 : index
          %get3A_104 = tpu.vector_load %arg7[%get3A_102, %get3A_103] {strides = array<i32>} : memref<1600x32xf32, #tpu.memory_space<vmem>>, vector<1x16xf32>,
          %get3A_105 = vector.shape_cast %get3A_104 : vector<1x16xf32> to vector<16xf32>
          %add3A_106 = arith.addf %add3A_90, %get3A_105 : vector<16xf32>
          %add3A_107 = arith.constant 6 : i32
          %add3A_108 = arith.addi %mul3A_65, %add3A_107 : i32
          %get3A_109 = arith.index_cast %add3A_108 : i32 to index
          %get3A_110 = arith.constant 0 : index
          %get3A_111 = tpu.vector_load %arg7[%get3A_109, %get3A_110] {strides = array<i32>} : memref<1600x32xf32, #tpu.memory_space<vmem>>, vector<1x16xf32>,
          %get3A_112 = vector.shape_cast %get3A_111 : vector<1x16xf32> to vector<16xf32>
          %add3A_113 = arith.addf %add3A_97, %get3A_112 : vector<16xf32>
          %add3A_114 = arith.constant 6 : i32
          %add3A_115 = arith.addi %mul3A_65, %add3A_114 : i32
          %add3A_116 = arith.constant 1 : i32
          %add3A_117 = arith.addi %add3A_115, %add3A_116 : i32
          %get3A_118 = arith.index_cast %add3A_117 : i32 to index
          %get3A_119 = arith.constant 0 : index
          %get3A_120 = tpu.vector_load %arg7[%get3A_118, %get3A_119] {strides = array<i32>} : memref<1600x32xf32, #tpu.memory_space<vmem>>, vector<1x16xf32>,
          %get3A_121 = vector.shape_cast %get3A_120 : vector<1x16xf32> to vector<16xf32>
          %add3A_122 = arith.addf %add3A_106, %get3A_121 : vector<16xf32>
          %add3A_123 = arith.constant 8 : i32
          %add3A_124 = arith.addi %mul3A_65, %add3A_123 : i32
          %get3A_125 = arith.index_cast %add3A_124 : i32 to index
          %get3A_126 = arith.constant 0 : index
          %get3A_127 = tpu.vector_load %arg7[%get3A_125, %get3A_126] {strides = array<i32>} : memref<1600x32xf32, #tpu.memory_space<vmem>>, vector<1x16xf32>,
          %get3A_128 = vector.shape_cast %get3A_127 : vector<1x16xf32> to vector<16xf32>
          %add3A_129 = arith.addf %add3A_113, %get3A_128 : vector<16xf32>
          %add3A_130 = arith.constant 8 : i32
          %add3A_131 = arith.addi %mul3A_65, %add3A_130 : i32
          %add3A_132 = arith.constant 1 : i32
          %add3A_133 = arith.addi %add3A_131, %add3A_132 : i32
          %get3A_134 = arith.index_cast %add3A_133 : i32 to index
          %get3A_135 = arith.constant 0 : index
          %get3A_136 = tpu.vector_load %arg7[%get3A_134, %get3A_135] {strides = array<i32>} : memref<1600x32xf32, #tpu.memory_space<vmem>>, vector<1x16xf32>,
          %get3A_137 = vector.shape_cast %get3A_136 : vector<1x16xf32> to vector<16xf32>
          %add3A_138 = arith.addf %add3A_122, %get3A_137 : vector<16xf32>
          %add3A_139 = arith.constant 10 : i32
          %add3A_140 = arith.addi %mul3A_65, %add3A_139 : i32
          %get3A_141 = arith.index_cast %add3A_140 : i32 to index
          %get3A_142 = arith.constant 0 : index
          %get3A_143 = tpu.vector_load %arg7[%get3A_141, %get3A_142] {strides = array<i32>} : memref<1600x32xf32, #tpu.memory_space<vmem>>, vector<1x16xf32>,
          %get3A_144 = vector.shape_cast %get3A_143 : vector<1x16xf32> to vector<16xf32>
          %add3A_145 = arith.addf %add3A_129, %get3A_144 : vector<16xf32>
          %add3A_146 = arith.constant 10 : i32
          %add3A_147 = arith.addi %mul3A_65, %add3A_146 : i32
          %add3A_148 = arith.constant 1 : i32
          %add3A_149 = arith.addi %add3A_147, %add3A_148 : i32
          %get3A_150 = arith.index_cast %add3A_149 : i32 to index
          %get3A_151 = arith.constant 0 : index
          %get3A_152 = tpu.vector_load %arg7[%get3A_150, %get3A_151] {strides = array<i32>} : memref<1600x32xf32, #tpu.memory_space<vmem>>, vector<1x16xf32>,
          %get3A_153 = vector.shape_cast %get3A_152 : vector<1x16xf32> to vector<16xf32>
          %add3A_154 = arith.addf %add3A_138, %get3A_153 : vector<16xf32>
          %add3A_155 = arith.constant 12 : i32
          %add3A_156 = arith.addi %mul3A_65, %add3A_155 : i32
          %get3A_157 = arith.index_cast %add3A_156 : i32 to index
          %get3A_158 = arith.constant 0 : index
          %get3A_159 = tpu.vector_load %arg7[%get3A_157, %get3A_158] {strides = array<i32>} : memref<1600x32xf32, #tpu.memory_space<vmem>>, vector<1x16xf32>,
          %get3A_160 = vector.shape_cast %get3A_159 : vector<1x16xf32> to vector<16xf32>
          %add3A_161 = arith.addf %add3A_145, %get3A_160 : vector<16xf32>
          %add3A_162 = arith.constant 12 : i32
          %add3A_163 = arith.addi %mul3A_65, %add3A_162 : i32
          %add3A_164 = arith.constant 1 : i32
          %add3A_165 = arith.addi %add3A_163, %add3A_164 : i32
          %get3A_166 = arith.index_cast %add3A_165 : i32 to index
          %get3A_167 = arith.constant 0 : index
          %get3A_168 = tpu.vector_load %arg7[%get3A_166, %get3A_167] {strides = array<i32>} : memref<1600x32xf32, #tpu.memory_space<vmem>>, vector<1x16xf32>,
          %get3A_169 = vector.shape_cast %get3A_168 : vector<1x16xf32> to vector<16xf32>
          %add3A_170 = arith.addf %add3A_154, %get3A_169 : vector<16xf32>
          %add3A_171 = arith.constant 14 : i32
          %add3A_172 = arith.addi %mul3A_65, %add3A_171 : i32
          %get3A_173 = arith.index_cast %add3A_172 : i32 to index
          %get3A_174 = arith.constant 0 : index
          %get3A_175 = tpu.vector_load %arg7[%get3A_173, %get3A_174] {strides = array<i32>} : memref<1600x32xf32, #tpu.memory_space<vmem>>, vector<1x16xf32>,
          %get3A_176 = vector.shape_cast %get3A_175 : vector<1x16xf32> to vector<16xf32>
          %add3A_177 = arith.addf %add3A_161, %get3A_176 : vector<16xf32>
          %add3A_178 = arith.constant 14 : i32
          %add3A_179 = arith.addi %mul3A_65, %add3A_178 : i32
          %add3A_180 = arith.constant 1 : i32
          %add3A_181 = arith.addi %add3A_179, %add3A_180 : i32
          %get3A_182 = arith.index_cast %add3A_181 : i32 to index
          %get3A_183 = arith.constant 0 : index
          %get3A_184 = tpu.vector_load %arg7[%get3A_182, %get3A_183] {strides = array<i32>} : memref<1600x32xf32, #tpu.memory_space<vmem>>, vector<1x16xf32>,
          %get3A_185 = vector.shape_cast %get3A_184 : vector<1x16xf32> to vector<16xf32>
          %add3A_186 = arith.addf %add3A_170, %get3A_185 : vector<16xf32>
          %add3A_187 = arith.constant 16 : i32
          %add3A_188 = arith.addi %mul3A_65, %add3A_187 : i32
          %get3A_189 = arith.index_cast %add3A_188 : i32 to index
          %get3A_190 = arith.constant 0 : index
          %get3A_191 = tpu.vector_load %arg7[%get3A_189, %get3A_190] {strides = array<i32>} : memref<1600x32xf32, #tpu.memory_space<vmem>>, vector<1x16xf32>,
          %get3A_192 = vector.shape_cast %get3A_191 : vector<1x16xf32> to vector<16xf32>
          %add3A_193 = arith.addf %add3A_177, %get3A_192 : vector<16xf32>
          %add3A_194 = arith.constant 16 : i32
          %add3A_195 = arith.addi %mul3A_65, %add3A_194 : i32
          %add3A_196 = arith.constant 1 : i32
          %add3A_197 = arith.addi %add3A_195, %add3A_196 : i32
          %get3A_198 = arith.index_cast %add3A_197 : i32 to index
          %get3A_199 = arith.constant 0 : index
          %get3A_200 = tpu.vector_load %arg7[%get3A_198, %get3A_199] {strides = array<i32>} : memref<1600x32xf32, #tpu.memory_space<vmem>>, vector<1x16xf32>,
          %get3A_201 = vector.shape_cast %get3A_200 : vector<1x16xf32> to vector<16xf32>
          %add3A_202 = arith.addf %add3A_186, %get3A_201 : vector<16xf32>
          %add3A_203 = arith.constant 18 : i32
          %add3A_204 = arith.addi %mul3A_65, %add3A_203 : i32
          %get3A_205 = arith.index_cast %add3A_204 : i32 to index
          %get3A_206 = arith.constant 0 : index
          %get3A_207 = tpu.vector_load %arg7[%get3A_205, %get3A_206] {strides = array<i32>} : memref<1600x32xf32, #tpu.memory_space<vmem>>, vector<1x16xf32>,
          %get3A_208 = vector.shape_cast %get3A_207 : vector<1x16xf32> to vector<16xf32>
          %add3A_209 = arith.addf %add3A_193, %get3A_208 : vector<16xf32>
          %add3A_210 = arith.constant 18 : i32
          %add3A_211 = arith.addi %mul3A_65, %add3A_210 : i32
          %add3A_212 = arith.constant 1 : i32
          %add3A_213 = arith.addi %add3A_211, %add3A_212 : i32
          %get3A_214 = arith.index_cast %add3A_213 : i32 to index
          %get3A_215 = arith.constant 0 : index
          %get3A_216 = tpu.vector_load %arg7[%get3A_214, %get3A_215] {strides = array<i32>} : memref<1600x32xf32, #tpu.memory_space<vmem>>, vector<1x16xf32>,
          %get3A_217 = vector.shape_cast %get3A_216 : vector<1x16xf32> to vector<16xf32>
          %add3A_218 = arith.addf %add3A_202, %get3A_217 : vector<16xf32>
          %add3A_219 = arith.constant 20 : i32
          %add3A_220 = arith.addi %mul3A_65, %add3A_219 : i32
          %get3A_221 = arith.index_cast %add3A_220 : i32 to index
          %get3A_222 = arith.constant 0 : index
          %get3A_223 = tpu.vector_load %arg7[%get3A_221, %get3A_222] {strides = array<i32>} : memref<1600x32xf32, #tpu.memory_space<vmem>>, vector<1x16xf32>,
          %get3A_224 = vector.shape_cast %get3A_223 : vector<1x16xf32> to vector<16xf32>
          %add3A_225 = arith.addf %add3A_209, %get3A_224 : vector<16xf32>
          %add3A_226 = arith.constant 20 : i32
          %add3A_227 = arith.addi %mul3A_65, %add3A_226 : i32
          %add3A_228 = arith.constant 1 : i32
          %add3A_229 = arith.addi %add3A_227, %add3A_228 : i32
          %get3A_230 = arith.index_cast %add3A_229 : i32 to index
          %get3A_231 = arith.constant 0 : index
          %get3A_232 = tpu.vector_load %arg7[%get3A_230, %get3A_231] {strides = array<i32>} : memref<1600x32xf32, #tpu.memory_space<vmem>>, vector<1x16xf32>,
          %get3A_233 = vector.shape_cast %get3A_232 : vector<1x16xf32> to vector<16xf32>
          %add3A_234 = arith.addf %add3A_218, %get3A_233 : vector<16xf32>
          %add3A_235 = arith.constant 22 : i32
          %add3A_236 = arith.addi %mul3A_65, %add3A_235 : i32
          %get3A_237 = arith.index_cast %add3A_236 : i32 to index
          %get3A_238 = arith.constant 0 : index
          %get3A_239 = tpu.vector_load %arg7[%get3A_237, %get3A_238] {strides = array<i32>} : memref<1600x32xf32, #tpu.memory_space<vmem>>, vector<1x16xf32>,
          %get3A_240 = vector.shape_cast %get3A_239 : vector<1x16xf32> to vector<16xf32>
          %add3A_241 = arith.addf %add3A_225, %get3A_240 : vector<16xf32>
          %add3A_242 = arith.constant 22 : i32
          %add3A_243 = arith.addi %mul3A_65, %add3A_242 : i32
          %add3A_244 = arith.constant 1 : i32
          %add3A_245 = arith.addi %add3A_243, %add3A_244 : i32
          %get3A_246 = arith.index_cast %add3A_245 : i32 to index
          %get3A_247 = arith.constant 0 : index
          %get3A_248 = tpu.vector_load %arg7[%get3A_246, %get3A_247] {strides = array<i32>} : memref<1600x32xf32, #tpu.memory_space<vmem>>, vector<1x16xf32>,
          %get3A_249 = vector.shape_cast %get3A_248 : vector<1x16xf32> to vector<16xf32>
          %add3A_250 = arith.addf %add3A_234, %get3A_249 : vector<16xf32>
          %add3A_251 = arith.constant 24 : i32
          %add3A_252 = arith.addi %mul3A_65, %add3A_251 : i32
          %get3A_253 = arith.index_cast %add3A_252 : i32 to index
          %get3A_254 = arith.constant 0 : index
          %get3A_255 = tpu.vector_load %arg7[%get3A_253, %get3A_254] {strides = array<i32>} : memref<1600x32xf32, #tpu.memory_space<vmem>>, vector<1x16xf32>,
          %get3A_256 = vector.shape_cast %get3A_255 : vector<1x16xf32> to vector<16xf32>
          %add3A_257 = arith.addf %add3A_241, %get3A_256 : vector<16xf32>
          %add3A_258 = arith.constant 24 : i32
          %add3A_259 = arith.addi %mul3A_65, %add3A_258 : i32
          %add3A_260 = arith.constant 1 : i32
          %add3A_261 = arith.addi %add3A_259, %add3A_260 : i32
          %get3A_262 = arith.index_cast %add3A_261 : i32 to index
          %get3A_263 = arith.constant 0 : index
          %get3A_264 = tpu.vector_load %arg7[%get3A_262, %get3A_263] {strides = array<i32>} : memref<1600x32xf32, #tpu.memory_space<vmem>>, vector<1x16xf32>,
          %get3A_265 = vector.shape_cast %get3A_264 : vector<1x16xf32> to vector<16xf32>
          %add3A_266 = arith.addf %add3A_250, %get3A_265 : vector<16xf32>
          %add3A_267 = arith.constant 26 : i32
          %add3A_268 = arith.addi %mul3A_65, %add3A_267 : i32
          %get3A_269 = arith.index_cast %add3A_268 : i32 to index
          %get3A_270 = arith.constant 0 : index
          %get3A_271 = tpu.vector_load %arg7[%get3A_269, %get3A_270] {strides = array<i32>} : memref<1600x32xf32, #tpu.memory_space<vmem>>, vector<1x16xf32>,
          %get3A_272 = vector.shape_cast %get3A_271 : vector<1x16xf32> to vector<16xf32>
          %add3A_273 = arith.addf %add3A_257, %get3A_272 : vector<16xf32>
          %add3A_274 = arith.constant 26 : i32
          %add3A_275 = arith.addi %mul3A_65, %add3A_274 : i32
          %add3A_276 = arith.constant 1 : i32
          %add3A_277 = arith.addi %add3A_275, %add3A_276 : i32
          %get3A_278 = arith.index_cast %add3A_277 : i32 to index
          %get3A_279 = arith.constant 0 : index
          %get3A_280 = tpu.vector_load %arg7[%get3A_278, %get3A_279] {strides = array<i32>} : memref<1600x32xf32, #tpu.memory_space<vmem>>, vector<1x16xf32>,
          %get3A_281 = vector.shape_cast %get3A_280 : vector<1x16xf32> to vector<16xf32>
          %add3A_282 = arith.addf %add3A_266, %get3A_281 : vector<16xf32>
          %add3A_283 = arith.constant 28 : i32
          %add3A_284 = arith.addi %mul3A_65, %add3A_283 : i32
          %get3A_285 = arith.index_cast %add3A_284 : i32 to index
          %get3A_286 = arith.constant 0 : index
          %get3A_287 = tpu.vector_load %arg7[%get3A_285, %get3A_286] {strides = array<i32>} : memref<1600x32xf32, #tpu.memory_space<vmem>>, vector<1x16xf32>,
          %get3A_288 = vector.shape_cast %get3A_287 : vector<1x16xf32> to vector<16xf32>
          %add3A_289 = arith.addf %add3A_273, %get3A_288 : vector<16xf32>
          %add3A_290 = arith.constant 28 : i32
          %add3A_291 = arith.addi %mul3A_65, %add3A_290 : i32
          %add3A_292 = arith.constant 1 : i32
          %add3A_293 = arith.addi %add3A_291, %add3A_292 : i32
          %get3A_294 = arith.index_cast %add3A_293 : i32 to index
          %get3A_295 = arith.constant 0 : index
          %get3A_296 = tpu.vector_load %arg7[%get3A_294, %get3A_295] {strides = array<i32>} : memref<1600x32xf32, #tpu.memory_space<vmem>>, vector<1x16xf32>,
          %get3A_297 = vector.shape_cast %get3A_296 : vector<1x16xf32> to vector<16xf32>
          %add3A_298 = arith.addf %add3A_282, %get3A_297 : vector<16xf32>
          %add3A_299 = arith.constant 30 : i32
          %add3A_300 = arith.addi %mul3A_65, %add3A_299 : i32
          %get3A_301 = arith.index_cast %add3A_300 : i32 to index
          %get3A_302 = arith.constant 0 : index
          %get3A_303 = tpu.vector_load %arg7[%get3A_301, %get3A_302] {strides = array<i32>} : memref<1600x32xf32, #tpu.memory_space<vmem>>, vector<1x16xf32>,
          %get3A_304 = vector.shape_cast %get3A_303 : vector<1x16xf32> to vector<16xf32>
          %add3A_305 = arith.addf %add3A_289, %get3A_304 : vector<16xf32>
          %add3A_306 = arith.constant 30 : i32
          %add3A_307 = arith.addi %mul3A_65, %add3A_306 : i32
          %add3A_308 = arith.constant 1 : i32
          %add3A_309 = arith.addi %add3A_307, %add3A_308 : i32
          %get3A_310 = arith.index_cast %add3A_309 : i32 to index
          %get3A_311 = arith.constant 0 : index
          %get3A_312 = tpu.vector_load %arg7[%get3A_310, %get3A_311] {strides = array<i32>} : memref<1600x32xf32, #tpu.memory_space<vmem>>, vector<1x16xf32>,
          %get3A_313 = vector.shape_cast %get3A_312 : vector<1x16xf32> to vector<16xf32>
          %add3A_314 = arith.addf %add3A_298, %get3A_313 : vector<16xf32>
          %add3A_315 = arith.constant 32 : i32
          %add3A_316 = arith.addi %mul3A_65, %add3A_315 : i32
          %get3A_317 = arith.index_cast %add3A_316 : i32 to index
          %get3A_318 = arith.constant 0 : index
          %get3A_319 = tpu.vector_load %arg7[%get3A_317, %get3A_318] {strides = array<i32>} : memref<1600x32xf32, #tpu.memory_space<vmem>>, vector<1x16xf32>,
          %get3A_320 = vector.shape_cast %get3A_319 : vector<1x16xf32> to vector<16xf32>
          %add3A_321 = arith.addf %add3A_305, %get3A_320 : vector<16xf32>
          %add3A_322 = arith.constant 32 : i32
          %add3A_323 = arith.addi %mul3A_65, %add3A_322 : i32
          %add3A_324 = arith.constant 1 : i32
          %add3A_325 = arith.addi %add3A_323, %add3A_324 : i32
          %get3A_326 = arith.index_cast %add3A_325 : i32 to index
          %get3A_327 = arith.constant 0 : index
          %get3A_328 = tpu.vector_load %arg7[%get3A_326, %get3A_327] {strides = array<i32>} : memref<1600x32xf32, #tpu.memory_space<vmem>>, vector<1x16xf32>,
          %get3A_329 = vector.shape_cast %get3A_328 : vector<1x16xf32> to vector<16xf32>
          %add3A_330 = arith.addf %add3A_314, %get3A_329 : vector<16xf32>
          %add3A_331 = arith.constant 34 : i32
          %add3A_332 = arith.addi %mul3A_65, %add3A_331 : i32
          %get3A_333 = arith.index_cast %add3A_332 : i32 to index
          %get3A_334 = arith.constant 0 : index
          %get3A_335 = tpu.vector_load %arg7[%get3A_333, %get3A_334] {strides = array<i32>} : memref<1600x32xf32, #tpu.memory_space<vmem>>, vector<1x16xf32>,
          %get3A_336 = vector.shape_cast %get3A_335 : vector<1x16xf32> to vector<16xf32>
          %add3A_337 = arith.addf %add3A_321, %get3A_336 : vector<16xf32>
          %add3A_338 = arith.constant 34 : i32
          %add3A_339 = arith.addi %mul3A_65, %add3A_338 : i32
          %add3A_340 = arith.constant 1 : i32
          %add3A_341 = arith.addi %add3A_339, %add3A_340 : i32
          %get3A_342 = arith.index_cast %add3A_341 : i32 to index
          %get3A_343 = arith.constant 0 : index
          %get3A_344 = tpu.vector_load %arg7[%get3A_342, %get3A_343] {strides = array<i32>} : memref<1600x32xf32, #tpu.memory_space<vmem>>, vector<1x16xf32>,
          %get3A_345 = vector.shape_cast %get3A_344 : vector<1x16xf32> to vector<16xf32>
          %add3A_346 = arith.addf %add3A_330, %get3A_345 : vector<16xf32>
          %add3A_347 = arith.constant 36 : i32
          %add3A_348 = arith.addi %mul3A_65, %add3A_347 : i32
          %get3A_349 = arith.index_cast %add3A_348 : i32 to index
          %get3A_350 = arith.constant 0 : index
          %get3A_351 = tpu.vector_load %arg7[%get3A_349, %get3A_350] {strides = array<i32>} : memref<1600x32xf32, #tpu.memory_space<vmem>>, vector<1x16xf32>,
          %get3A_352 = vector.shape_cast %get3A_351 : vector<1x16xf32> to vector<16xf32>
          %add3A_353 = arith.addf %add3A_337, %get3A_352 : vector<16xf32>
          %add3A_354 = arith.constant 36 : i32
          %add3A_355 = arith.addi %mul3A_65, %add3A_354 : i32
          %add3A_356 = arith.constant 1 : i32
          %add3A_357 = arith.addi %add3A_355, %add3A_356 : i32
          %get3A_358 = arith.index_cast %add3A_357 : i32 to index
          %get3A_359 = arith.constant 0 : index
          %get3A_360 = tpu.vector_load %arg7[%get3A_358, %get3A_359] {strides = array<i32>} : memref<1600x32xf32, #tpu.memory_space<vmem>>, vector<1x16xf32>,
          %get3A_361 = vector.shape_cast %get3A_360 : vector<1x16xf32> to vector<16xf32>
          %add3A_362 = arith.addf %add3A_346, %get3A_361 : vector<16xf32>
          %add3A_363 = arith.constant 38 : i32
          %add3A_364 = arith.addi %mul3A_65, %add3A_363 : i32
          %get3A_365 = arith.index_cast %add3A_364 : i32 to index
          %get3A_366 = arith.constant 0 : index
          %get3A_367 = tpu.vector_load %arg7[%get3A_365, %get3A_366] {strides = array<i32>} : memref<1600x32xf32, #tpu.memory_space<vmem>>, vector<1x16xf32>,
          %get3A_368 = vector.shape_cast %get3A_367 : vector<1x16xf32> to vector<16xf32>
          %add3A_369 = arith.addf %add3A_353, %get3A_368 : vector<16xf32>
          %add3A_370 = arith.constant 38 : i32
          %add3A_371 = arith.addi %mul3A_65, %add3A_370 : i32
          %add3A_372 = arith.constant 1 : i32
          %add3A_373 = arith.addi %add3A_371, %add3A_372 : i32
          %get3A_374 = arith.index_cast %add3A_373 : i32 to index
          %get3A_375 = arith.constant 0 : index
          %get3A_376 = tpu.vector_load %arg7[%get3A_374, %get3A_375] {strides = array<i32>} : memref<1600x32xf32, #tpu.memory_space<vmem>>, vector<1x16xf32>,
          %get3A_377 = vector.shape_cast %get3A_376 : vector<1x16xf32> to vector<16xf32>
          %add3A_378 = arith.addf %add3A_362, %get3A_377 : vector<16xf32>
          %add3A_379 = arith.constant 40 : i32
          %add3A_380 = arith.addi %mul3A_65, %add3A_379 : i32
          %get3A_381 = arith.index_cast %add3A_380 : i32 to index
          %get3A_382 = arith.constant 0 : index
          %get3A_383 = tpu.vector_load %arg7[%get3A_381, %get3A_382] {strides = array<i32>} : memref<1600x32xf32, #tpu.memory_space<vmem>>, vector<1x16xf32>,
          %get3A_384 = vector.shape_cast %get3A_383 : vector<1x16xf32> to vector<16xf32>
          %add3A_385 = arith.addf %add3A_369, %get3A_384 : vector<16xf32>
          %add3A_386 = arith.constant 40 : i32
          %add3A_387 = arith.addi %mul3A_65, %add3A_386 : i32
          %add3A_388 = arith.constant 1 : i32
          %add3A_389 = arith.addi %add3A_387, %add3A_388 : i32
          %get3A_390 = arith.index_cast %add3A_389 : i32 to index
          %get3A_391 = arith.constant 0 : index
          %get3A_392 = tpu.vector_load %arg7[%get3A_390, %get3A_391] {strides = array<i32>} : memref<1600x32xf32, #tpu.memory_space<vmem>>, vector<1x16xf32>,
          %get3A_393 = vector.shape_cast %get3A_392 : vector<1x16xf32> to vector<16xf32>
          %add3A_394 = arith.addf %add3A_378, %get3A_393 : vector<16xf32>
          %add3A_395 = arith.constant 42 : i32
          %add3A_396 = arith.addi %mul3A_65, %add3A_395 : i32
          %get3A_397 = arith.index_cast %add3A_396 : i32 to index
          %get3A_398 = arith.constant 0 : index
          %get3A_399 = tpu.vector_load %arg7[%get3A_397, %get3A_398] {strides = array<i32>} : memref<1600x32xf32, #tpu.memory_space<vmem>>, vector<1x16xf32>,
          %get3A_400 = vector.shape_cast %get3A_399 : vector<1x16xf32> to vector<16xf32>
          %add3A_401 = arith.addf %add3A_385, %get3A_400 : vector<16xf32>
          %add3A_402 = arith.constant 42 : i32
          %add3A_403 = arith.addi %mul3A_65, %add3A_402 : i32
          %add3A_404 = arith.constant 1 : i32
          %add3A_405 = arith.addi %add3A_403, %add3A_404 : i32
          %get3A_406 = arith.index_cast %add3A_405 : i32 to index
          %get3A_407 = arith.constant 0 : index
          %get3A_408 = tpu.vector_load %arg7[%get3A_406, %get3A_407] {strides = array<i32>} : memref<1600x32xf32, #tpu.memory_space<vmem>>, vector<1x16xf32>,
          %get3A_409 = vector.shape_cast %get3A_408 : vector<1x16xf32> to vector<16xf32>
          %add3A_410 = arith.addf %add3A_394, %get3A_409 : vector<16xf32>
          %add3A_411 = arith.constant 44 : i32
          %add3A_412 = arith.addi %mul3A_65, %add3A_411 : i32
          %get3A_413 = arith.index_cast %add3A_412 : i32 to index
          %get3A_414 = arith.constant 0 : index
          %get3A_415 = tpu.vector_load %arg7[%get3A_413, %get3A_414] {strides = array<i32>} : memref<1600x32xf32, #tpu.memory_space<vmem>>, vector<1x16xf32>,
          %get3A_416 = vector.shape_cast %get3A_415 : vector<1x16xf32> to vector<16xf32>
          %add3A_417 = arith.addf %add3A_401, %get3A_416 : vector<16xf32>
          %add3A_418 = arith.constant 44 : i32
          %add3A_419 = arith.addi %mul3A_65, %add3A_418 : i32
          %add3A_420 = arith.constant 1 : i32
          %add3A_421 = arith.addi %add3A_419, %add3A_420 : i32
          %get3A_422 = arith.index_cast %add3A_421 : i32 to index
          %get3A_423 = arith.constant 0 : index
          %get3A_424 = tpu.vector_load %arg7[%get3A_422, %get3A_423] {strides = array<i32>} : memref<1600x32xf32, #tpu.memory_space<vmem>>, vector<1x16xf32>,
          %get3A_425 = vector.shape_cast %get3A_424 : vector<1x16xf32> to vector<16xf32>
          %add3A_426 = arith.addf %add3A_410, %get3A_425 : vector<16xf32>
          %add3A_427 = arith.constant 46 : i32
          %add3A_428 = arith.addi %mul3A_65, %add3A_427 : i32
          %get3A_429 = arith.index_cast %add3A_428 : i32 to index
          %get3A_430 = arith.constant 0 : index
          %get3A_431 = tpu.vector_load %arg7[%get3A_429, %get3A_430] {strides = array<i32>} : memref<1600x32xf32, #tpu.memory_space<vmem>>, vector<1x16xf32>,
          %get3A_432 = vector.shape_cast %get3A_431 : vector<1x16xf32> to vector<16xf32>
          %add3A_433 = arith.addf %add3A_417, %get3A_432 : vector<16xf32>
          %add3A_434 = arith.constant 46 : i32
          %add3A_435 = arith.addi %mul3A_65, %add3A_434 : i32
          %add3A_436 = arith.constant 1 : i32
          %add3A_437 = arith.addi %add3A_435, %add3A_436 : i32
          %get3A_438 = arith.index_cast %add3A_437 : i32 to index
          %get3A_439 = arith.constant 0 : index
          %get3A_440 = tpu.vector_load %arg7[%get3A_438, %get3A_439] {strides = array<i32>} : memref<1600x32xf32, #tpu.memory_space<vmem>>, vector<1x16xf32>,
          %get3A_441 = vector.shape_cast %get3A_440 : vector<1x16xf32> to vector<16xf32>
          %add3A_442 = arith.addf %add3A_426, %get3A_441 : vector<16xf32>
          %add3A_443 = arith.constant 48 : i32
          %add3A_444 = arith.addi %mul3A_65, %add3A_443 : i32
          %get3A_445 = arith.index_cast %add3A_444 : i32 to index
          %get3A_446 = arith.constant 0 : index
          %get3A_447 = tpu.vector_load %arg7[%get3A_445, %get3A_446] {strides = array<i32>} : memref<1600x32xf32, #tpu.memory_space<vmem>>, vector<1x16xf32>,
          %get3A_448 = vector.shape_cast %get3A_447 : vector<1x16xf32> to vector<16xf32>
          %add3A_449 = arith.addf %add3A_433, %get3A_448 : vector<16xf32>
          %add3A_450 = arith.constant 48 : i32
          %add3A_451 = arith.addi %mul3A_65, %add3A_450 : i32
          %add3A_452 = arith.constant 1 : i32
          %add3A_453 = arith.addi %add3A_451, %add3A_452 : i32
          %get3A_454 = arith.index_cast %add3A_453 : i32 to index
          %get3A_455 = arith.constant 0 : index
          %get3A_456 = tpu.vector_load %arg7[%get3A_454, %get3A_455] {strides = array<i32>} : memref<1600x32xf32, #tpu.memory_space<vmem>>, vector<1x16xf32>,
          %get3A_457 = vector.shape_cast %get3A_456 : vector<1x16xf32> to vector<16xf32>
          %add3A_458 = arith.addf %add3A_442, %get3A_457 : vector<16xf32>
          %add3A_459 = arith.addf %add3A_449, %add3A_458 : vector<16xf32>
          %swap3A = arith.index_cast %scan3A_63 : i32 to index
          %swap3A_460 = arith.constant 0 : index
          %swap3A_461 = tpu.vector_load %arg9[%swap3A, %swap3A_460] {strides = array<i32>} : memref<32x32xf32, #tpu.memory_space<vmem>>, vector<1x16xf32>,
          %swap3A_462 = vector.shape_cast %swap3A_461 : vector<1x16xf32> to vector<16xf32>
          %swap3A_463 = vector.shape_cast %add3A_459 : vector<16xf32> to vector<1x16xf32>
          tpu.vector_store %arg9[%swap3A, %swap3A_460], %swap3A_463 {strides = array<i32>} : memref<32x32xf32, #tpu.memory_space<vmem>>, vector<1x16xf32>,
          %get3A_464 = arith.index_cast %mul3A_65 : i32 to index
          %get3A_465 = arith.constant 16 : index
          %get3A_466 = tpu.vector_load %arg7[%get3A_464, %get3A_465] {strides = array<i32>} : memref<1600x32xf32, #tpu.memory_space<vmem>>, vector<1x16xf32>,
          %get3A_467 = vector.shape_cast %get3A_466 : vector<1x16xf32> to vector<16xf32>
          %add3A_468 = arith.constant 1 : i32
          %add3A_469 = arith.addi %mul3A_65, %add3A_468 : i32
          %get3A_470 = arith.index_cast %add3A_469 : i32 to index
          %get3A_471 = arith.constant 16 : index
          %get3A_472 = tpu.vector_load %arg7[%get3A_470, %get3A_471] {strides = array<i32>} : memref<1600x32xf32, #tpu.memory_space<vmem>>, vector<1x16xf32>,
          %get3A_473 = vector.shape_cast %get3A_472 : vector<1x16xf32> to vector<16xf32>
          %add3A_474 = arith.constant 2 : i32
          %add3A_475 = arith.addi %mul3A_65, %add3A_474 : i32
          %get3A_476 = arith.index_cast %add3A_475 : i32 to index
          %get3A_477 = arith.constant 16 : index
          %get3A_478 = tpu.vector_load %arg7[%get3A_476, %get3A_477] {strides = array<i32>} : memref<1600x32xf32, #tpu.memory_space<vmem>>, vector<1x16xf32>,
          %get3A_479 = vector.shape_cast %get3A_478 : vector<1x16xf32> to vector<16xf32>
          %add3A_480 = arith.addf %get3A_467, %get3A_479 : vector<16xf32>
          %add3A_481 = arith.constant 2 : i32
          %add3A_482 = arith.addi %mul3A_65, %add3A_481 : i32
          %add3A_483 = arith.constant 1 : i32
          %add3A_484 = arith.addi %add3A_482, %add3A_483 : i32
          %get3A_485 = arith.index_cast %add3A_484 : i32 to index
          %get3A_486 = arith.constant 16 : index
          %get3A_487 = tpu.vector_load %arg7[%get3A_485, %get3A_486] {strides = array<i32>} : memref<1600x32xf32, #tpu.memory_space<vmem>>, vector<1x16xf32>,
          %get3A_488 = vector.shape_cast %get3A_487 : vector<1x16xf32> to vector<16xf32>
          %add3A_489 = arith.addf %get3A_473, %get3A_488 : vector<16xf32>
          %add3A_490 = arith.constant 4 : i32
          %add3A_491 = arith.addi %mul3A_65, %add3A_490 : i32
          %get3A_492 = arith.index_cast %add3A_491 : i32 to index
          %get3A_493 = arith.constant 16 : index
          %get3A_494 = tpu.vector_load %arg7[%get3A_492, %get3A_493] {strides = array<i32>} : memref<1600x32xf32, #tpu.memory_space<vmem>>, vector<1x16xf32>,
          %get3A_495 = vector.shape_cast %get3A_494 : vector<1x16xf32> to vector<16xf32>
          %add3A_496 = arith.addf %add3A_480, %get3A_495 : vector<16xf32>
          %add3A_497 = arith.constant 4 : i32
          %add3A_498 = arith.addi %mul3A_65, %add3A_497 : i32
          %add3A_499 = arith.constant 1 : i32
          %add3A_500 = arith.addi %add3A_498, %add3A_499 : i32
          %get3A_501 = arith.index_cast %add3A_500 : i32 to index
          %get3A_502 = arith.constant 16 : index
          %get3A_503 = tpu.vector_load %arg7[%get3A_501, %get3A_502] {strides = array<i32>} : memref<1600x32xf32, #tpu.memory_space<vmem>>, vector<1x16xf32>,
          %get3A_504 = vector.shape_cast %get3A_503 : vector<1x16xf32> to vector<16xf32>
          %add3A_505 = arith.addf %add3A_489, %get3A_504 : vector<16xf32>
          %add3A_506 = arith.constant 6 : i32
          %add3A_507 = arith.addi %mul3A_65, %add3A_506 : i32
          %get3A_508 = arith.index_cast %add3A_507 : i32 to index
          %get3A_509 = arith.constant 16 : index
          %get3A_510 = tpu.vector_load %arg7[%get3A_508, %get3A_509] {strides = array<i32>} : memref<1600x32xf32, #tpu.memory_space<vmem>>, vector<1x16xf32>,
          %get3A_511 = vector.shape_cast %get3A_510 : vector<1x16xf32> to vector<16xf32>
          %add3A_512 = arith.addf %add3A_496, %get3A_511 : vector<16xf32>
          %add3A_513 = arith.constant 6 : i32
          %add3A_514 = arith.addi %mul3A_65, %add3A_513 : i32
          %add3A_515 = arith.constant 1 : i32
          %add3A_516 = arith.addi %add3A_514, %add3A_515 : i32
          %get3A_517 = arith.index_cast %add3A_516 : i32 to index
          %get3A_518 = arith.constant 16 : index
          %get3A_519 = tpu.vector_load %arg7[%get3A_517, %get3A_518] {strides = array<i32>} : memref<1600x32xf32, #tpu.memory_space<vmem>>, vector<1x16xf32>,
          %get3A_520 = vector.shape_cast %get3A_519 : vector<1x16xf32> to vector<16xf32>
          %add3A_521 = arith.addf %add3A_505, %get3A_520 : vector<16xf32>
          %add3A_522 = arith.constant 8 : i32
          %add3A_523 = arith.addi %mul3A_65, %add3A_522 : i32
          %get3A_524 = arith.index_cast %add3A_523 : i32 to index
          %get3A_525 = arith.constant 16 : index
          %get3A_526 = tpu.vector_load %arg7[%get3A_524, %get3A_525] {strides = array<i32>} : memref<1600x32xf32, #tpu.memory_space<vmem>>, vector<1x16xf32>,
          %get3A_527 = vector.shape_cast %get3A_526 : vector<1x16xf32> to vector<16xf32>
          %add3A_528 = arith.addf %add3A_512, %get3A_527 : vector<16xf32>
          %add3A_529 = arith.constant 8 : i32
          %add3A_530 = arith.addi %mul3A_65, %add3A_529 : i32
          %add3A_531 = arith.constant 1 : i32
          %add3A_532 = arith.addi %add3A_530, %add3A_531 : i32
          %get3A_533 = arith.index_cast %add3A_532 : i32 to index
          %get3A_534 = arith.constant 16 : index
          %get3A_535 = tpu.vector_load %arg7[%get3A_533, %get3A_534] {strides = array<i32>} : memref<1600x32xf32, #tpu.memory_space<vmem>>, vector<1x16xf32>,
          %get3A_536 = vector.shape_cast %get3A_535 : vector<1x16xf32> to vector<16xf32>
          %add3A_537 = arith.addf %add3A_521, %get3A_536 : vector<16xf32>
          %add3A_538 = arith.constant 10 : i32
          %add3A_539 = arith.addi %mul3A_65, %add3A_538 : i32
          %get3A_540 = arith.index_cast %add3A_539 : i32 to index
          %get3A_541 = arith.constant 16 : index
          %get3A_542 = tpu.vector_load %arg7[%get3A_540, %get3A_541] {strides = array<i32>} : memref<1600x32xf32, #tpu.memory_space<vmem>>, vector<1x16xf32>,
          %get3A_543 = vector.shape_cast %get3A_542 : vector<1x16xf32> to vector<16xf32>
          %add3A_544 = arith.addf %add3A_528, %get3A_543 : vector<16xf32>
          %add3A_545 = arith.constant 10 : i32
          %add3A_546 = arith.addi %mul3A_65, %add3A_545 : i32
          %add3A_547 = arith.constant 1 : i32
          %add3A_548 = arith.addi %add3A_546, %add3A_547 : i32
          %get3A_549 = arith.index_cast %add3A_548 : i32 to index
          %get3A_550 = arith.constant 16 : index
          %get3A_551 = tpu.vector_load %arg7[%get3A_549, %get3A_550] {strides = array<i32>} : memref<1600x32xf32, #tpu.memory_space<vmem>>, vector<1x16xf32>,
          %get3A_552 = vector.shape_cast %get3A_551 : vector<1x16xf32> to vector<16xf32>
          %add3A_553 = arith.addf %add3A_537, %get3A_552 : vector<16xf32>
          %add3A_554 = arith.constant 12 : i32
          %add3A_555 = arith.addi %mul3A_65, %add3A_554 : i32
          %get3A_556 = arith.index_cast %add3A_555 : i32 to index
          %get3A_557 = arith.constant 16 : index
          %get3A_558 = tpu.vector_load %arg7[%get3A_556, %get3A_557] {strides = array<i32>} : memref<1600x32xf32, #tpu.memory_space<vmem>>, vector<1x16xf32>,
          %get3A_559 = vector.shape_cast %get3A_558 : vector<1x16xf32> to vector<16xf32>
          %add3A_560 = arith.addf %add3A_544, %get3A_559 : vector<16xf32>
          %add3A_561 = arith.constant 12 : i32
          %add3A_562 = arith.addi %mul3A_65, %add3A_561 : i32
          %add3A_563 = arith.constant 1 : i32
          %add3A_564 = arith.addi %add3A_562, %add3A_563 : i32
          %get3A_565 = arith.index_cast %add3A_564 : i32 to index
          %get3A_566 = arith.constant 16 : index
          %get3A_567 = tpu.vector_load %arg7[%get3A_565, %get3A_566] {strides = array<i32>} : memref<1600x32xf32, #tpu.memory_space<vmem>>, vector<1x16xf32>,
          %get3A_568 = vector.shape_cast %get3A_567 : vector<1x16xf32> to vector<16xf32>
          %add3A_569 = arith.addf %add3A_553, %get3A_568 : vector<16xf32>
          %add3A_570 = arith.constant 14 : i32
          %add3A_571 = arith.addi %mul3A_65, %add3A_570 : i32
          %get3A_572 = arith.index_cast %add3A_571 : i32 to index
          %get3A_573 = arith.constant 16 : index
          %get3A_574 = tpu.vector_load %arg7[%get3A_572, %get3A_573] {strides = array<i32>} : memref<1600x32xf32, #tpu.memory_space<vmem>>, vector<1x16xf32>,
          %get3A_575 = vector.shape_cast %get3A_574 : vector<1x16xf32> to vector<16xf32>
          %add3A_576 = arith.addf %add3A_560, %get3A_575 : vector<16xf32>
          %add3A_577 = arith.constant 14 : i32
          %add3A_578 = arith.addi %mul3A_65, %add3A_577 : i32
          %add3A_579 = arith.constant 1 : i32
          %add3A_580 = arith.addi %add3A_578, %add3A_579 : i32
          %get3A_581 = arith.index_cast %add3A_580 : i32 to index
          %get3A_582 = arith.constant 16 : index
          %get3A_583 = tpu.vector_load %arg7[%get3A_581, %get3A_582] {strides = array<i32>} : memref<1600x32xf32, #tpu.memory_space<vmem>>, vector<1x16xf32>,
          %get3A_584 = vector.shape_cast %get3A_583 : vector<1x16xf32> to vector<16xf32>
          %add3A_585 = arith.addf %add3A_569, %get3A_584 : vector<16xf32>
          %add3A_586 = arith.constant 16 : i32
          %add3A_587 = arith.addi %mul3A_65, %add3A_586 : i32
          %get3A_588 = arith.index_cast %add3A_587 : i32 to index
          %get3A_589 = arith.constant 16 : index
          %get3A_590 = tpu.vector_load %arg7[%get3A_588, %get3A_589] {strides = array<i32>} : memref<1600x32xf32, #tpu.memory_space<vmem>>, vector<1x16xf32>,
          %get3A_591 = vector.shape_cast %get3A_590 : vector<1x16xf32> to vector<16xf32>
          %add3A_592 = arith.addf %add3A_576, %get3A_591 : vector<16xf32>
          %add3A_593 = arith.constant 16 : i32
          %add3A_594 = arith.addi %mul3A_65, %add3A_593 : i32
          %add3A_595 = arith.constant 1 : i32
          %add3A_596 = arith.addi %add3A_594, %add3A_595 : i32
          %get3A_597 = arith.index_cast %add3A_596 : i32 to index
          %get3A_598 = arith.constant 16 : index
          %get3A_599 = tpu.vector_load %arg7[%get3A_597, %get3A_598] {strides = array<i32>} : memref<1600x32xf32, #tpu.memory_space<vmem>>, vector<1x16xf32>,
          %get3A_600 = vector.shape_cast %get3A_599 : vector<1x16xf32> to vector<16xf32>
          %add3A_601 = arith.addf %add3A_585, %get3A_600 : vector<16xf32>
          %add3A_602 = arith.constant 18 : i32
          %add3A_603 = arith.addi %mul3A_65, %add3A_602 : i32
          %get3A_604 = arith.index_cast %add3A_603 : i32 to index
          %get3A_605 = arith.constant 16 : index
          %get3A_606 = tpu.vector_load %arg7[%get3A_604, %get3A_605] {strides = array<i32>} : memref<1600x32xf32, #tpu.memory_space<vmem>>, vector<1x16xf32>,
          %get3A_607 = vector.shape_cast %get3A_606 : vector<1x16xf32> to vector<16xf32>
          %add3A_608 = arith.addf %add3A_592, %get3A_607 : vector<16xf32>
          %add3A_609 = arith.constant 18 : i32
          %add3A_610 = arith.addi %mul3A_65, %add3A_609 : i32
          %add3A_611 = arith.constant 1 : i32
          %add3A_612 = arith.addi %add3A_610, %add3A_611 : i32
          %get3A_613 = arith.index_cast %add3A_612 : i32 to index
          %get3A_614 = arith.constant 16 : index
          %get3A_615 = tpu.vector_load %arg7[%get3A_613, %get3A_614] {strides = array<i32>} : memref<1600x32xf32, #tpu.memory_space<vmem>>, vector<1x16xf32>,
          %get3A_616 = vector.shape_cast %get3A_615 : vector<1x16xf32> to vector<16xf32>
          %add3A_617 = arith.addf %add3A_601, %get3A_616 : vector<16xf32>
          %add3A_618 = arith.constant 20 : i32
          %add3A_619 = arith.addi %mul3A_65, %add3A_618 : i32
          %get3A_620 = arith.index_cast %add3A_619 : i32 to index
          %get3A_621 = arith.constant 16 : index
          %get3A_622 = tpu.vector_load %arg7[%get3A_620, %get3A_621] {strides = array<i32>} : memref<1600x32xf32, #tpu.memory_space<vmem>>, vector<1x16xf32>,
          %get3A_623 = vector.shape_cast %get3A_622 : vector<1x16xf32> to vector<16xf32>
          %add3A_624 = arith.addf %add3A_608, %get3A_623 : vector<16xf32>
          %add3A_625 = arith.constant 20 : i32
          %add3A_626 = arith.addi %mul3A_65, %add3A_625 : i32
          %add3A_627 = arith.constant 1 : i32
          %add3A_628 = arith.addi %add3A_626, %add3A_627 : i32
          %get3A_629 = arith.index_cast %add3A_628 : i32 to index
          %get3A_630 = arith.constant 16 : index
          %get3A_631 = tpu.vector_load %arg7[%get3A_629, %get3A_630] {strides = array<i32>} : memref<1600x32xf32, #tpu.memory_space<vmem>>, vector<1x16xf32>,
          %get3A_632 = vector.shape_cast %get3A_631 : vector<1x16xf32> to vector<16xf32>
          %add3A_633 = arith.addf %add3A_617, %get3A_632 : vector<16xf32>
          %add3A_634 = arith.constant 22 : i32
          %add3A_635 = arith.addi %mul3A_65, %add3A_634 : i32
          %get3A_636 = arith.index_cast %add3A_635 : i32 to index
          %get3A_637 = arith.constant 16 : index
          %get3A_638 = tpu.vector_load %arg7[%get3A_636, %get3A_637] {strides = array<i32>} : memref<1600x32xf32, #tpu.memory_space<vmem>>, vector<1x16xf32>,
          %get3A_639 = vector.shape_cast %get3A_638 : vector<1x16xf32> to vector<16xf32>
          %add3A_640 = arith.addf %add3A_624, %get3A_639 : vector<16xf32>
          %add3A_641 = arith.constant 22 : i32
          %add3A_642 = arith.addi %mul3A_65, %add3A_641 : i32
          %add3A_643 = arith.constant 1 : i32
          %add3A_644 = arith.addi %add3A_642, %add3A_643 : i32
          %get3A_645 = arith.index_cast %add3A_644 : i32 to index
          %get3A_646 = arith.constant 16 : index
          %get3A_647 = tpu.vector_load %arg7[%get3A_645, %get3A_646] {strides = array<i32>} : memref<1600x32xf32, #tpu.memory_space<vmem>>, vector<1x16xf32>,
          %get3A_648 = vector.shape_cast %get3A_647 : vector<1x16xf32> to vector<16xf32>
          %add3A_649 = arith.addf %add3A_633, %get3A_648 : vector<16xf32>
          %add3A_650 = arith.constant 24 : i32
          %add3A_651 = arith.addi %mul3A_65, %add3A_650 : i32
          %get3A_652 = arith.index_cast %add3A_651 : i32 to index
          %get3A_653 = arith.constant 16 : index
          %get3A_654 = tpu.vector_load %arg7[%get3A_652, %get3A_653] {strides = array<i32>} : memref<1600x32xf32, #tpu.memory_space<vmem>>, vector<1x16xf32>,
          %get3A_655 = vector.shape_cast %get3A_654 : vector<1x16xf32> to vector<16xf32>
          %add3A_656 = arith.addf %add3A_640, %get3A_655 : vector<16xf32>
          %add3A_657 = arith.constant 24 : i32
          %add3A_658 = arith.addi %mul3A_65, %add3A_657 : i32
          %add3A_659 = arith.constant 1 : i32
          %add3A_660 = arith.addi %add3A_658, %add3A_659 : i32
          %get3A_661 = arith.index_cast %add3A_660 : i32 to index
          %get3A_662 = arith.constant 16 : index
          %get3A_663 = tpu.vector_load %arg7[%get3A_661, %get3A_662] {strides = array<i32>} : memref<1600x32xf32, #tpu.memory_space<vmem>>, vector<1x16xf32>,
          %get3A_664 = vector.shape_cast %get3A_663 : vector<1x16xf32> to vector<16xf32>
          %add3A_665 = arith.addf %add3A_649, %get3A_664 : vector<16xf32>
          %add3A_666 = arith.constant 26 : i32
          %add3A_667 = arith.addi %mul3A_65, %add3A_666 : i32
          %get3A_668 = arith.index_cast %add3A_667 : i32 to index
          %get3A_669 = arith.constant 16 : index
          %get3A_670 = tpu.vector_load %arg7[%get3A_668, %get3A_669] {strides = array<i32>} : memref<1600x32xf32, #tpu.memory_space<vmem>>, vector<1x16xf32>,
          %get3A_671 = vector.shape_cast %get3A_670 : vector<1x16xf32> to vector<16xf32>
          %add3A_672 = arith.addf %add3A_656, %get3A_671 : vector<16xf32>
          %add3A_673 = arith.constant 26 : i32
          %add3A_674 = arith.addi %mul3A_65, %add3A_673 : i32
          %add3A_675 = arith.constant 1 : i32
          %add3A_676 = arith.addi %add3A_674, %add3A_675 : i32
          %get3A_677 = arith.index_cast %add3A_676 : i32 to index
          %get3A_678 = arith.constant 16 : index
          %get3A_679 = tpu.vector_load %arg7[%get3A_677, %get3A_678] {strides = array<i32>} : memref<1600x32xf32, #tpu.memory_space<vmem>>, vector<1x16xf32>,
          %get3A_680 = vector.shape_cast %get3A_679 : vector<1x16xf32> to vector<16xf32>
          %add3A_681 = arith.addf %add3A_665, %get3A_680 : vector<16xf32>
          %add3A_682 = arith.constant 28 : i32
          %add3A_683 = arith.addi %mul3A_65, %add3A_682 : i32
          %get3A_684 = arith.index_cast %add3A_683 : i32 to index
          %get3A_685 = arith.constant 16 : index
          %get3A_686 = tpu.vector_load %arg7[%get3A_684, %get3A_685] {strides = array<i32>} : memref<1600x32xf32, #tpu.memory_space<vmem>>, vector<1x16xf32>,
          %get3A_687 = vector.shape_cast %get3A_686 : vector<1x16xf32> to vector<16xf32>
          %add3A_688 = arith.addf %add3A_672, %get3A_687 : vector<16xf32>
          %add3A_689 = arith.constant 28 : i32
          %add3A_690 = arith.addi %mul3A_65, %add3A_689 : i32
          %add3A_691 = arith.constant 1 : i32
          %add3A_692 = arith.addi %add3A_690, %add3A_691 : i32
          %get3A_693 = arith.index_cast %add3A_692 : i32 to index
          %get3A_694 = arith.constant 16 : index
          %get3A_695 = tpu.vector_load %arg7[%get3A_693, %get3A_694] {strides = array<i32>} : memref<1600x32xf32, #tpu.memory_space<vmem>>, vector<1x16xf32>,
          %get3A_696 = vector.shape_cast %get3A_695 : vector<1x16xf32> to vector<16xf32>
          %add3A_697 = arith.addf %add3A_681, %get3A_696 : vector<16xf32>
          %add3A_698 = arith.constant 30 : i32
          %add3A_699 = arith.addi %mul3A_65, %add3A_698 : i32
          %get3A_700 = arith.index_cast %add3A_699 : i32 to index
          %get3A_701 = arith.constant 16 : index
          %get3A_702 = tpu.vector_load %arg7[%get3A_700, %get3A_701] {strides = array<i32>} : memref<1600x32xf32, #tpu.memory_space<vmem>>, vector<1x16xf32>,
          %get3A_703 = vector.shape_cast %get3A_702 : vector<1x16xf32> to vector<16xf32>
          %add3A_704 = arith.addf %add3A_688, %get3A_703 : vector<16xf32>
          %add3A_705 = arith.constant 30 : i32
          %add3A_706 = arith.addi %mul3A_65, %add3A_705 : i32
          %add3A_707 = arith.constant 1 : i32
          %add3A_708 = arith.addi %add3A_706, %add3A_707 : i32
          %get3A_709 = arith.index_cast %add3A_708 : i32 to index
          %get3A_710 = arith.constant 16 : index
          %get3A_711 = tpu.vector_load %arg7[%get3A_709, %get3A_710] {strides = array<i32>} : memref<1600x32xf32, #tpu.memory_space<vmem>>, vector<1x16xf32>,
          %get3A_712 = vector.shape_cast %get3A_711 : vector<1x16xf32> to vector<16xf32>
          %add3A_713 = arith.addf %add3A_697, %get3A_712 : vector<16xf32>
          %add3A_714 = arith.constant 32 : i32
          %add3A_715 = arith.addi %mul3A_65, %add3A_714 : i32
          %get3A_716 = arith.index_cast %add3A_715 : i32 to index
          %get3A_717 = arith.constant 16 : index
          %get3A_718 = tpu.vector_load %arg7[%get3A_716, %get3A_717] {strides = array<i32>} : memref<1600x32xf32, #tpu.memory_space<vmem>>, vector<1x16xf32>,
          %get3A_719 = vector.shape_cast %get3A_718 : vector<1x16xf32> to vector<16xf32>
          %add3A_720 = arith.addf %add3A_704, %get3A_719 : vector<16xf32>
          %add3A_721 = arith.constant 32 : i32
          %add3A_722 = arith.addi %mul3A_65, %add3A_721 : i32
          %add3A_723 = arith.constant 1 : i32
          %add3A_724 = arith.addi %add3A_722, %add3A_723 : i32
          %get3A_725 = arith.index_cast %add3A_724 : i32 to index
          %get3A_726 = arith.constant 16 : index
          %get3A_727 = tpu.vector_load %arg7[%get3A_725, %get3A_726] {strides = array<i32>} : memref<1600x32xf32, #tpu.memory_space<vmem>>, vector<1x16xf32>,
          %get3A_728 = vector.shape_cast %get3A_727 : vector<1x16xf32> to vector<16xf32>
          %add3A_729 = arith.addf %add3A_713, %get3A_728 : vector<16xf32>
          %add3A_730 = arith.constant 34 : i32
          %add3A_731 = arith.addi %mul3A_65, %add3A_730 : i32
          %get3A_732 = arith.index_cast %add3A_731 : i32 to index
          %get3A_733 = arith.constant 16 : index
          %get3A_734 = tpu.vector_load %arg7[%get3A_732, %get3A_733] {strides = array<i32>} : memref<1600x32xf32, #tpu.memory_space<vmem>>, vector<1x16xf32>,
          %get3A_735 = vector.shape_cast %get3A_734 : vector<1x16xf32> to vector<16xf32>
          %add3A_736 = arith.addf %add3A_720, %get3A_735 : vector<16xf32>
          %add3A_737 = arith.constant 34 : i32
          %add3A_738 = arith.addi %mul3A_65, %add3A_737 : i32
          %add3A_739 = arith.constant 1 : i32
          %add3A_740 = arith.addi %add3A_738, %add3A_739 : i32
          %get3A_741 = arith.index_cast %add3A_740 : i32 to index
          %get3A_742 = arith.constant 16 : index
          %get3A_743 = tpu.vector_load %arg7[%get3A_741, %get3A_742] {strides = array<i32>} : memref<1600x32xf32, #tpu.memory_space<vmem>>, vector<1x16xf32>,
          %get3A_744 = vector.shape_cast %get3A_743 : vector<1x16xf32> to vector<16xf32>
          %add3A_745 = arith.addf %add3A_729, %get3A_744 : vector<16xf32>
          %add3A_746 = arith.constant 36 : i32
          %add3A_747 = arith.addi %mul3A_65, %add3A_746 : i32
          %get3A_748 = arith.index_cast %add3A_747 : i32 to index
          %get3A_749 = arith.constant 16 : index
          %get3A_750 = tpu.vector_load %arg7[%get3A_748, %get3A_749] {strides = array<i32>} : memref<1600x32xf32, #tpu.memory_space<vmem>>, vector<1x16xf32>,
          %get3A_751 = vector.shape_cast %get3A_750 : vector<1x16xf32> to vector<16xf32>
          %add3A_752 = arith.addf %add3A_736, %get3A_751 : vector<16xf32>
          %add3A_753 = arith.constant 36 : i32
          %add3A_754 = arith.addi %mul3A_65, %add3A_753 : i32
          %add3A_755 = arith.constant 1 : i32
          %add3A_756 = arith.addi %add3A_754, %add3A_755 : i32
          %get3A_757 = arith.index_cast %add3A_756 : i32 to index
          %get3A_758 = arith.constant 16 : index
          %get3A_759 = tpu.vector_load %arg7[%get3A_757, %get3A_758] {strides = array<i32>} : memref<1600x32xf32, #tpu.memory_space<vmem>>, vector<1x16xf32>,
          %get3A_760 = vector.shape_cast %get3A_759 : vector<1x16xf32> to vector<16xf32>
          %add3A_761 = arith.addf %add3A_745, %get3A_760 : vector<16xf32>
          %add3A_762 = arith.constant 38 : i32
          %add3A_763 = arith.addi %mul3A_65, %add3A_762 : i32
          %get3A_764 = arith.index_cast %add3A_763 : i32 to index
          %get3A_765 = arith.constant 16 : index
          %get3A_766 = tpu.vector_load %arg7[%get3A_764, %get3A_765] {strides = array<i32>} : memref<1600x32xf32, #tpu.memory_space<vmem>>, vector<1x16xf32>,
          %get3A_767 = vector.shape_cast %get3A_766 : vector<1x16xf32> to vector<16xf32>
          %add3A_768 = arith.addf %add3A_752, %get3A_767 : vector<16xf32>
          %add3A_769 = arith.constant 38 : i32
          %add3A_770 = arith.addi %mul3A_65, %add3A_769 : i32
          %add3A_771 = arith.constant 1 : i32
          %add3A_772 = arith.addi %add3A_770, %add3A_771 : i32
          %get3A_773 = arith.index_cast %add3A_772 : i32 to index
          %get3A_774 = arith.constant 16 : index
          %get3A_775 = tpu.vector_load %arg7[%get3A_773, %get3A_774] {strides = array<i32>} : memref<1600x32xf32, #tpu.memory_space<vmem>>, vector<1x16xf32>,
          %get3A_776 = vector.shape_cast %get3A_775 : vector<1x16xf32> to vector<16xf32>
          %add3A_777 = arith.addf %add3A_761, %get3A_776 : vector<16xf32>
          %add3A_778 = arith.constant 40 : i32
          %add3A_779 = arith.addi %mul3A_65, %add3A_778 : i32
          %get3A_780 = arith.index_cast %add3A_779 : i32 to index
          %get3A_781 = arith.constant 16 : index
          %get3A_782 = tpu.vector_load %arg7[%get3A_780, %get3A_781] {strides = array<i32>} : memref<1600x32xf32, #tpu.memory_space<vmem>>, vector<1x16xf32>,
          %get3A_783 = vector.shape_cast %get3A_782 : vector<1x16xf32> to vector<16xf32>
          %add3A_784 = arith.addf %add3A_768, %get3A_783 : vector<16xf32>
          %add3A_785 = arith.constant 40 : i32
          %add3A_786 = arith.addi %mul3A_65, %add3A_785 : i32
          %add3A_787 = arith.constant 1 : i32
          %add3A_788 = arith.addi %add3A_786, %add3A_787 : i32
          %get3A_789 = arith.index_cast %add3A_788 : i32 to index
          %get3A_790 = arith.constant 16 : index
          %get3A_791 = tpu.vector_load %arg7[%get3A_789, %get3A_790] {strides = array<i32>} : memref<1600x32xf32, #tpu.memory_space<vmem>>, vector<1x16xf32>,
          %get3A_792 = vector.shape_cast %get3A_791 : vector<1x16xf32> to vector<16xf32>
          %add3A_793 = arith.addf %add3A_777, %get3A_792 : vector<16xf32>
          %add3A_794 = arith.constant 42 : i32
          %add3A_795 = arith.addi %mul3A_65, %add3A_794 : i32
          %get3A_796 = arith.index_cast %add3A_795 : i32 to index
          %get3A_797 = arith.constant 16 : index
          %get3A_798 = tpu.vector_load %arg7[%get3A_796, %get3A_797] {strides = array<i32>} : memref<1600x32xf32, #tpu.memory_space<vmem>>, vector<1x16xf32>,
          %get3A_799 = vector.shape_cast %get3A_798 : vector<1x16xf32> to vector<16xf32>
          %add3A_800 = arith.addf %add3A_784, %get3A_799 : vector<16xf32>
          %add3A_801 = arith.constant 42 : i32
          %add3A_802 = arith.addi %mul3A_65, %add3A_801 : i32
          %add3A_803 = arith.constant 1 : i32
          %add3A_804 = arith.addi %add3A_802, %add3A_803 : i32
          %get3A_805 = arith.index_cast %add3A_804 : i32 to index
          %get3A_806 = arith.constant 16 : index
          %get3A_807 = tpu.vector_load %arg7[%get3A_805, %get3A_806] {strides = array<i32>} : memref<1600x32xf32, #tpu.memory_space<vmem>>, vector<1x16xf32>,
          %get3A_808 = vector.shape_cast %get3A_807 : vector<1x16xf32> to vector<16xf32>
          %add3A_809 = arith.addf %add3A_793, %get3A_808 : vector<16xf32>
          %add3A_810 = arith.constant 44 : i32
          %add3A_811 = arith.addi %mul3A_65, %add3A_810 : i32
          %get3A_812 = arith.index_cast %add3A_811 : i32 to index
          %get3A_813 = arith.constant 16 : index
          %get3A_814 = tpu.vector_load %arg7[%get3A_812, %get3A_813] {strides = array<i32>} : memref<1600x32xf32, #tpu.memory_space<vmem>>, vector<1x16xf32>,
          %get3A_815 = vector.shape_cast %get3A_814 : vector<1x16xf32> to vector<16xf32>
          %add3A_816 = arith.addf %add3A_800, %get3A_815 : vector<16xf32>
          %add3A_817 = arith.constant 44 : i32
          %add3A_818 = arith.addi %mul3A_65, %add3A_817 : i32
          %add3A_819 = arith.constant 1 : i32
          %add3A_820 = arith.addi %add3A_818, %add3A_819 : i32
          %get3A_821 = arith.index_cast %add3A_820 : i32 to index
          %get3A_822 = arith.constant 16 : index
          %get3A_823 = tpu.vector_load %arg7[%get3A_821, %get3A_822] {strides = array<i32>} : memref<1600x32xf32, #tpu.memory_space<vmem>>, vector<1x16xf32>,
          %get3A_824 = vector.shape_cast %get3A_823 : vector<1x16xf32> to vector<16xf32>
          %add3A_825 = arith.addf %add3A_809, %get3A_824 : vector<16xf32>
          %add3A_826 = arith.constant 46 : i32
          %add3A_827 = arith.addi %mul3A_65, %add3A_826 : i32
          %get3A_828 = arith.index_cast %add3A_827 : i32 to index
          %get3A_829 = arith.constant 16 : index
          %get3A_830 = tpu.vector_load %arg7[%get3A_828, %get3A_829] {strides = array<i32>} : memref<1600x32xf32, #tpu.memory_space<vmem>>, vector<1x16xf32>,
          %get3A_831 = vector.shape_cast %get3A_830 : vector<1x16xf32> to vector<16xf32>
          %add3A_832 = arith.addf %add3A_816, %get3A_831 : vector<16xf32>
          %add3A_833 = arith.constant 46 : i32
          %add3A_834 = arith.addi %mul3A_65, %add3A_833 : i32
          %add3A_835 = arith.constant 1 : i32
          %add3A_836 = arith.addi %add3A_834, %add3A_835 : i32
          %get3A_837 = arith.index_cast %add3A_836 : i32 to index
          %get3A_838 = arith.constant 16 : index
          %get3A_839 = tpu.vector_load %arg7[%get3A_837, %get3A_838] {strides = array<i32>} : memref<1600x32xf32, #tpu.memory_space<vmem>>, vector<1x16xf32>,
          %get3A_840 = vector.shape_cast %get3A_839 : vector<1x16xf32> to vector<16xf32>
          %add3A_841 = arith.addf %add3A_825, %get3A_840 : vector<16xf32>
          %add3A_842 = arith.constant 48 : i32
          %add3A_843 = arith.addi %mul3A_65, %add3A_842 : i32
          %get3A_844 = arith.index_cast %add3A_843 : i32 to index
          %get3A_845 = arith.constant 16 : index
          %get3A_846 = tpu.vector_load %arg7[%get3A_844, %get3A_845] {strides = array<i32>} : memref<1600x32xf32, #tpu.memory_space<vmem>>, vector<1x16xf32>,
          %get3A_847 = vector.shape_cast %get3A_846 : vector<1x16xf32> to vector<16xf32>
          %add3A_848 = arith.addf %add3A_832, %get3A_847 : vector<16xf32>
          %add3A_849 = arith.constant 48 : i32
          %add3A_850 = arith.addi %mul3A_65, %add3A_849 : i32
          %add3A_851 = arith.constant 1 : i32
          %add3A_852 = arith.addi %add3A_850, %add3A_851 : i32
          %get3A_853 = arith.index_cast %add3A_852 : i32 to index
          %get3A_854 = arith.constant 16 : index
          %get3A_855 = tpu.vector_load %arg7[%get3A_853, %get3A_854] {strides = array<i32>} : memref<1600x32xf32, #tpu.memory_space<vmem>>, vector<1x16xf32>,
          %get3A_856 = vector.shape_cast %get3A_855 : vector<1x16xf32> to vector<16xf32>
          %add3A_857 = arith.addf %add3A_841, %get3A_856 : vector<16xf32>
          %add3A_858 = arith.addf %add3A_848, %add3A_857 : vector<16xf32>
          %swap3A_859 = arith.index_cast %scan3A_63 : i32 to index
          %swap3A_860 = arith.constant 16 : index
          %swap3A_861 = tpu.vector_load %arg9[%swap3A_859, %swap3A_860] {strides = array<i32>} : memref<32x32xf32, #tpu.memory_space<vmem>>, vector<1x16xf32>,
          %swap3A_862 = vector.shape_cast %swap3A_861 : vector<1x16xf32> to vector<16xf32>
          %swap3A_863 = vector.shape_cast %add3A_858 : vector<16xf32> to vector<1x16xf32>
          tpu.vector_store %arg9[%swap3A_859, %swap3A_860], %swap3A_863 {strides = array<i32>} : memref<32x32xf32, #tpu.memory_space<vmem>>, vector<1x16xf32>,
        }
        %scan3A_59 = arith.constant 32 : i32
        %mul3A_60 = arith.constant 32 : i32
        %mul3A_61 = arith.muli %scan3A_14, %mul3A_60 : i32
        %add3A_62 = arith.addi %mul3A_2, %mul3A_61 : i32
        "tpu.region"() ({
          %run_scoped3A = tpu.sem_alloc : memref<!tpu.dma_semaphore, #tpu.memory_space<semaphore_mem>>
          %dma_start3A_63 = arith.constant 0 : i32
          %dma_start3A_64 = tpu.memref_slice %arg4[%add3A_62, %dma_start3A_63] : memref<16384x32xf32, #tpu.memory_space<hbm>> -> memref<32x32xf32, #tpu.memory_space<hbm>>
          %dma_start3A_65 = arith.constant 0 : i32
          %dma_start3A_66 = tpu.memref_slice %arg4[%add3A_62, %dma_start3A_65] : memref<16384x32xf32, #tpu.memory_space<hbm>> -> memref<32x32xf32, #tpu.memory_space<hbm>>
          tpu.enqueue_dma source(%arg9 : memref<32x32xf32, #tpu.memory_space<vmem>>) target(%dma_start3A_66 : memref<32x32xf32, #tpu.memory_space<hbm>>) target_semaphore(%run_scoped3A : memref<!tpu.dma_semaphore, #tpu.memory_space<semaphore_mem>>)
          %dma_wait3A_67 = arith.constant 0 : i32
          %dma_wait3A_68 = tpu.memref_slice %arg4[%add3A_62, %dma_wait3A_67] : memref<16384x32xf32, #tpu.memory_space<hbm>> -> memref<32x32xf32, #tpu.memory_space<hbm>>
          %dma_wait3A_69 = arith.constant 0 : i32
          %dma_wait3A_70 = tpu.memref_slice %arg4[%add3A_62, %dma_wait3A_69] : memref<16384x32xf32, #tpu.memory_space<hbm>> -> memref<32x32xf32, #tpu.memory_space<hbm>>
          tpu.wait_dma2 semaphore(%run_scoped3A : memref<!tpu.dma_semaphore, #tpu.memory_space<semaphore_mem>>) src(%arg9 : memref<32x32xf32, #tpu.memory_space<vmem>>) dst(%dma_wait3A_70 : memref<32x32xf32, #tpu.memory_space<hbm>>)
          tpu.yield
        }) : () -> ()
      } else {
      }
      %eq3A_47 = arith.constant 1 : i32
      %eq3A_48 = arith.cmpi eq, %select_n3A_23, %eq3A_47 : i32
      %convert_element_type3A_49 = arith.extui %eq3A_48 : i1 to i32
      %cond3A_50 = arith.constant 0 : i32
      %cond3A_51 = arith.cmpi ne, %convert_element_type3A_49, %cond3A_50 : i32
      scf.if %cond3A_51 {
        %dma_wait3A = arith.constant 0 : i32
        %dma_wait3A_52 = arith.constant 0 : i32
        %dma_wait3A_53 = tpu.memref_slice %arg3[%dma_wait3A, %dma_wait3A_52] : memref<1000000x32xf32, #tpu.memory_space<hbm>> -> memref<1000000x32xf32, #tpu.memory_space<hbm>>
        tpu.wait_indirect_dma semaphore(%arg11 : memref<!tpu.dma_semaphore, #tpu.memory_space<semaphore_mem>>) src(%dma_wait3A_53 : memref<1000000x32xf32, #tpu.memory_space<hbm>>) dst(%arg8 : memref<1600x32xf32, #tpu.memory_space<vmem>>)
        %scan3A_54 = arith.constant 0 : i32
        %scan3A_55 = arith.constant 0 : i32
        %scan3A_56 = arith.constant 32 : i32
        %scan3A_57 = arith.addi %scan3A_55, %scan3A_56 : i32
        %scan3A_58 = arith.constant 1 : i32
        scf.for %scan3A_63 = %scan3A_55 to %scan3A_57 step %scan3A_58  : i32 {
          %mul3A_64 = arith.constant 50 : i32
          %mul3A_65 = arith.muli %scan3A_63, %mul3A_64 : i32
          %get3A = arith.index_cast %mul3A_65 : i32 to index
          %get3A_66 = arith.constant 0 : index
          %get3A_67 = tpu.vector_load %arg8[%get3A, %get3A_66] {strides = array<i32>} : memref<1600x32xf32, #tpu.memory_space<vmem>>, vector<1x16xf32>,
          %get3A_68 = vector.shape_cast %get3A_67 : vector<1x16xf32> to vector<16xf32>
          %add3A_69 = arith.constant 1 : i32
          %add3A_70 = arith.addi %mul3A_65, %add3A_69 : i32
          %get3A_71 = arith.index_cast %add3A_70 : i32 to index
          %get3A_72 = arith.constant 0 : index
          %get3A_73 = tpu.vector_load %arg8[%get3A_71, %get3A_72] {strides = array<i32>} : memref<1600x32xf32, #tpu.memory_space<vmem>>, vector<1x16xf32>,
          %get3A_74 = vector.shape_cast %get3A_73 : vector<1x16xf32> to vector<16xf32>
          %add3A_75 = arith.constant 2 : i32
          %add3A_76 = arith.addi %mul3A_65, %add3A_75 : i32
          %get3A_77 = arith.index_cast %add3A_76 : i32 to index
          %get3A_78 = arith.constant 0 : index
          %get3A_79 = tpu.vector_load %arg8[%get3A_77, %get3A_78] {strides = array<i32>} : memref<1600x32xf32, #tpu.memory_space<vmem>>, vector<1x16xf32>,
          %get3A_80 = vector.shape_cast %get3A_79 : vector<1x16xf32> to vector<16xf32>
          %add3A_81 = arith.addf %get3A_68, %get3A_80 : vector<16xf32>
          %add3A_82 = arith.constant 2 : i32
          %add3A_83 = arith.addi %mul3A_65, %add3A_82 : i32
          %add3A_84 = arith.constant 1 : i32
          %add3A_85 = arith.addi %add3A_83, %add3A_84 : i32
          %get3A_86 = arith.index_cast %add3A_85 : i32 to index
          %get3A_87 = arith.constant 0 : index
          %get3A_88 = tpu.vector_load %arg8[%get3A_86, %get3A_87] {strides = array<i32>} : memref<1600x32xf32, #tpu.memory_space<vmem>>, vector<1x16xf32>,
          %get3A_89 = vector.shape_cast %get3A_88 : vector<1x16xf32> to vector<16xf32>
          %add3A_90 = arith.addf %get3A_74, %get3A_89 : vector<16xf32>
          %add3A_91 = arith.constant 4 : i32
          %add3A_92 = arith.addi %mul3A_65, %add3A_91 : i32
          %get3A_93 = arith.index_cast %add3A_92 : i32 to index
          %get3A_94 = arith.constant 0 : index
          %get3A_95 = tpu.vector_load %arg8[%get3A_93, %get3A_94] {strides = array<i32>} : memref<1600x32xf32, #tpu.memory_space<vmem>>, vector<1x16xf32>,
          %get3A_96 = vector.shape_cast %get3A_95 : vector<1x16xf32> to vector<16xf32>
          %add3A_97 = arith.addf %add3A_81, %get3A_96 : vector<16xf32>
          %add3A_98 = arith.constant 4 : i32
          %add3A_99 = arith.addi %mul3A_65, %add3A_98 : i32
          %add3A_100 = arith.constant 1 : i32
          %add3A_101 = arith.addi %add3A_99, %add3A_100 : i32
          %get3A_102 = arith.index_cast %add3A_101 : i32 to index
          %get3A_103 = arith.constant 0 : index
          %get3A_104 = tpu.vector_load %arg8[%get3A_102, %get3A_103] {strides = array<i32>} : memref<1600x32xf32, #tpu.memory_space<vmem>>, vector<1x16xf32>,
          %get3A_105 = vector.shape_cast %get3A_104 : vector<1x16xf32> to vector<16xf32>
          %add3A_106 = arith.addf %add3A_90, %get3A_105 : vector<16xf32>
          %add3A_107 = arith.constant 6 : i32
          %add3A_108 = arith.addi %mul3A_65, %add3A_107 : i32
          %get3A_109 = arith.index_cast %add3A_108 : i32 to index
          %get3A_110 = arith.constant 0 : index
          %get3A_111 = tpu.vector_load %arg8[%get3A_109, %get3A_110] {strides = array<i32>} : memref<1600x32xf32, #tpu.memory_space<vmem>>, vector<1x16xf32>,
          %get3A_112 = vector.shape_cast %get3A_111 : vector<1x16xf32> to vector<16xf32>
          %add3A_113 = arith.addf %add3A_97, %get3A_112 : vector<16xf32>
          %add3A_114 = arith.constant 6 : i32
          %add3A_115 = arith.addi %mul3A_65, %add3A_114 : i32
          %add3A_116 = arith.constant 1 : i32
          %add3A_117 = arith.addi %add3A_115, %add3A_116 : i32
          %get3A_118 = arith.index_cast %add3A_117 : i32 to index
          %get3A_119 = arith.constant 0 : index
          %get3A_120 = tpu.vector_load %arg8[%get3A_118, %get3A_119] {strides = array<i32>} : memref<1600x32xf32, #tpu.memory_space<vmem>>, vector<1x16xf32>,
          %get3A_121 = vector.shape_cast %get3A_120 : vector<1x16xf32> to vector<16xf32>
          %add3A_122 = arith.addf %add3A_106, %get3A_121 : vector<16xf32>
          %add3A_123 = arith.constant 8 : i32
          %add3A_124 = arith.addi %mul3A_65, %add3A_123 : i32
          %get3A_125 = arith.index_cast %add3A_124 : i32 to index
          %get3A_126 = arith.constant 0 : index
          %get3A_127 = tpu.vector_load %arg8[%get3A_125, %get3A_126] {strides = array<i32>} : memref<1600x32xf32, #tpu.memory_space<vmem>>, vector<1x16xf32>,
          %get3A_128 = vector.shape_cast %get3A_127 : vector<1x16xf32> to vector<16xf32>
          %add3A_129 = arith.addf %add3A_113, %get3A_128 : vector<16xf32>
          %add3A_130 = arith.constant 8 : i32
          %add3A_131 = arith.addi %mul3A_65, %add3A_130 : i32
          %add3A_132 = arith.constant 1 : i32
          %add3A_133 = arith.addi %add3A_131, %add3A_132 : i32
          %get3A_134 = arith.index_cast %add3A_133 : i32 to index
          %get3A_135 = arith.constant 0 : index
          %get3A_136 = tpu.vector_load %arg8[%get3A_134, %get3A_135] {strides = array<i32>} : memref<1600x32xf32, #tpu.memory_space<vmem>>, vector<1x16xf32>,
          %get3A_137 = vector.shape_cast %get3A_136 : vector<1x16xf32> to vector<16xf32>
          %add3A_138 = arith.addf %add3A_122, %get3A_137 : vector<16xf32>
          %add3A_139 = arith.constant 10 : i32
          %add3A_140 = arith.addi %mul3A_65, %add3A_139 : i32
          %get3A_141 = arith.index_cast %add3A_140 : i32 to index
          %get3A_142 = arith.constant 0 : index
          %get3A_143 = tpu.vector_load %arg8[%get3A_141, %get3A_142] {strides = array<i32>} : memref<1600x32xf32, #tpu.memory_space<vmem>>, vector<1x16xf32>,
          %get3A_144 = vector.shape_cast %get3A_143 : vector<1x16xf32> to vector<16xf32>
          %add3A_145 = arith.addf %add3A_129, %get3A_144 : vector<16xf32>
          %add3A_146 = arith.constant 10 : i32
          %add3A_147 = arith.addi %mul3A_65, %add3A_146 : i32
          %add3A_148 = arith.constant 1 : i32
          %add3A_149 = arith.addi %add3A_147, %add3A_148 : i32
          %get3A_150 = arith.index_cast %add3A_149 : i32 to index
          %get3A_151 = arith.constant 0 : index
          %get3A_152 = tpu.vector_load %arg8[%get3A_150, %get3A_151] {strides = array<i32>} : memref<1600x32xf32, #tpu.memory_space<vmem>>, vector<1x16xf32>,
          %get3A_153 = vector.shape_cast %get3A_152 : vector<1x16xf32> to vector<16xf32>
          %add3A_154 = arith.addf %add3A_138, %get3A_153 : vector<16xf32>
          %add3A_155 = arith.constant 12 : i32
          %add3A_156 = arith.addi %mul3A_65, %add3A_155 : i32
          %get3A_157 = arith.index_cast %add3A_156 : i32 to index
          %get3A_158 = arith.constant 0 : index
          %get3A_159 = tpu.vector_load %arg8[%get3A_157, %get3A_158] {strides = array<i32>} : memref<1600x32xf32, #tpu.memory_space<vmem>>, vector<1x16xf32>,
          %get3A_160 = vector.shape_cast %get3A_159 : vector<1x16xf32> to vector<16xf32>
          %add3A_161 = arith.addf %add3A_145, %get3A_160 : vector<16xf32>
          %add3A_162 = arith.constant 12 : i32
          %add3A_163 = arith.addi %mul3A_65, %add3A_162 : i32
          %add3A_164 = arith.constant 1 : i32
          %add3A_165 = arith.addi %add3A_163, %add3A_164 : i32
          %get3A_166 = arith.index_cast %add3A_165 : i32 to index
          %get3A_167 = arith.constant 0 : index
          %get3A_168 = tpu.vector_load %arg8[%get3A_166, %get3A_167] {strides = array<i32>} : memref<1600x32xf32, #tpu.memory_space<vmem>>, vector<1x16xf32>,
          %get3A_169 = vector.shape_cast %get3A_168 : vector<1x16xf32> to vector<16xf32>
          %add3A_170 = arith.addf %add3A_154, %get3A_169 : vector<16xf32>
          %add3A_171 = arith.constant 14 : i32
          %add3A_172 = arith.addi %mul3A_65, %add3A_171 : i32
          %get3A_173 = arith.index_cast %add3A_172 : i32 to index
          %get3A_174 = arith.constant 0 : index
          %get3A_175 = tpu.vector_load %arg8[%get3A_173, %get3A_174] {strides = array<i32>} : memref<1600x32xf32, #tpu.memory_space<vmem>>, vector<1x16xf32>,
          %get3A_176 = vector.shape_cast %get3A_175 : vector<1x16xf32> to vector<16xf32>
          %add3A_177 = arith.addf %add3A_161, %get3A_176 : vector<16xf32>
          %add3A_178 = arith.constant 14 : i32
          %add3A_179 = arith.addi %mul3A_65, %add3A_178 : i32
          %add3A_180 = arith.constant 1 : i32
          %add3A_181 = arith.addi %add3A_179, %add3A_180 : i32
          %get3A_182 = arith.index_cast %add3A_181 : i32 to index
          %get3A_183 = arith.constant 0 : index
          %get3A_184 = tpu.vector_load %arg8[%get3A_182, %get3A_183] {strides = array<i32>} : memref<1600x32xf32, #tpu.memory_space<vmem>>, vector<1x16xf32>,
          %get3A_185 = vector.shape_cast %get3A_184 : vector<1x16xf32> to vector<16xf32>
          %add3A_186 = arith.addf %add3A_170, %get3A_185 : vector<16xf32>
          %add3A_187 = arith.constant 16 : i32
          %add3A_188 = arith.addi %mul3A_65, %add3A_187 : i32
          %get3A_189 = arith.index_cast %add3A_188 : i32 to index
          %get3A_190 = arith.constant 0 : index
          %get3A_191 = tpu.vector_load %arg8[%get3A_189, %get3A_190] {strides = array<i32>} : memref<1600x32xf32, #tpu.memory_space<vmem>>, vector<1x16xf32>,
          %get3A_192 = vector.shape_cast %get3A_191 : vector<1x16xf32> to vector<16xf32>
          %add3A_193 = arith.addf %add3A_177, %get3A_192 : vector<16xf32>
          %add3A_194 = arith.constant 16 : i32
          %add3A_195 = arith.addi %mul3A_65, %add3A_194 : i32
          %add3A_196 = arith.constant 1 : i32
          %add3A_197 = arith.addi %add3A_195, %add3A_196 : i32
          %get3A_198 = arith.index_cast %add3A_197 : i32 to index
          %get3A_199 = arith.constant 0 : index
          %get3A_200 = tpu.vector_load %arg8[%get3A_198, %get3A_199] {strides = array<i32>} : memref<1600x32xf32, #tpu.memory_space<vmem>>, vector<1x16xf32>,
          %get3A_201 = vector.shape_cast %get3A_200 : vector<1x16xf32> to vector<16xf32>
          %add3A_202 = arith.addf %add3A_186, %get3A_201 : vector<16xf32>
          %add3A_203 = arith.constant 18 : i32
          %add3A_204 = arith.addi %mul3A_65, %add3A_203 : i32
          %get3A_205 = arith.index_cast %add3A_204 : i32 to index
          %get3A_206 = arith.constant 0 : index
          %get3A_207 = tpu.vector_load %arg8[%get3A_205, %get3A_206] {strides = array<i32>} : memref<1600x32xf32, #tpu.memory_space<vmem>>, vector<1x16xf32>,
          %get3A_208 = vector.shape_cast %get3A_207 : vector<1x16xf32> to vector<16xf32>
          %add3A_209 = arith.addf %add3A_193, %get3A_208 : vector<16xf32>
          %add3A_210 = arith.constant 18 : i32
          %add3A_211 = arith.addi %mul3A_65, %add3A_210 : i32
          %add3A_212 = arith.constant 1 : i32
          %add3A_213 = arith.addi %add3A_211, %add3A_212 : i32
          %get3A_214 = arith.index_cast %add3A_213 : i32 to index
          %get3A_215 = arith.constant 0 : index
          %get3A_216 = tpu.vector_load %arg8[%get3A_214, %get3A_215] {strides = array<i32>} : memref<1600x32xf32, #tpu.memory_space<vmem>>, vector<1x16xf32>,
          %get3A_217 = vector.shape_cast %get3A_216 : vector<1x16xf32> to vector<16xf32>
          %add3A_218 = arith.addf %add3A_202, %get3A_217 : vector<16xf32>
          %add3A_219 = arith.constant 20 : i32
          %add3A_220 = arith.addi %mul3A_65, %add3A_219 : i32
          %get3A_221 = arith.index_cast %add3A_220 : i32 to index
          %get3A_222 = arith.constant 0 : index
          %get3A_223 = tpu.vector_load %arg8[%get3A_221, %get3A_222] {strides = array<i32>} : memref<1600x32xf32, #tpu.memory_space<vmem>>, vector<1x16xf32>,
          %get3A_224 = vector.shape_cast %get3A_223 : vector<1x16xf32> to vector<16xf32>
          %add3A_225 = arith.addf %add3A_209, %get3A_224 : vector<16xf32>
          %add3A_226 = arith.constant 20 : i32
          %add3A_227 = arith.addi %mul3A_65, %add3A_226 : i32
          %add3A_228 = arith.constant 1 : i32
          %add3A_229 = arith.addi %add3A_227, %add3A_228 : i32
          %get3A_230 = arith.index_cast %add3A_229 : i32 to index
          %get3A_231 = arith.constant 0 : index
          %get3A_232 = tpu.vector_load %arg8[%get3A_230, %get3A_231] {strides = array<i32>} : memref<1600x32xf32, #tpu.memory_space<vmem>>, vector<1x16xf32>,
          %get3A_233 = vector.shape_cast %get3A_232 : vector<1x16xf32> to vector<16xf32>
          %add3A_234 = arith.addf %add3A_218, %get3A_233 : vector<16xf32>
          %add3A_235 = arith.constant 22 : i32
          %add3A_236 = arith.addi %mul3A_65, %add3A_235 : i32
          %get3A_237 = arith.index_cast %add3A_236 : i32 to index
          %get3A_238 = arith.constant 0 : index
          %get3A_239 = tpu.vector_load %arg8[%get3A_237, %get3A_238] {strides = array<i32>} : memref<1600x32xf32, #tpu.memory_space<vmem>>, vector<1x16xf32>,
          %get3A_240 = vector.shape_cast %get3A_239 : vector<1x16xf32> to vector<16xf32>
          %add3A_241 = arith.addf %add3A_225, %get3A_240 : vector<16xf32>
          %add3A_242 = arith.constant 22 : i32
          %add3A_243 = arith.addi %mul3A_65, %add3A_242 : i32
          %add3A_244 = arith.constant 1 : i32
          %add3A_245 = arith.addi %add3A_243, %add3A_244 : i32
          %get3A_246 = arith.index_cast %add3A_245 : i32 to index
          %get3A_247 = arith.constant 0 : index
          %get3A_248 = tpu.vector_load %arg8[%get3A_246, %get3A_247] {strides = array<i32>} : memref<1600x32xf32, #tpu.memory_space<vmem>>, vector<1x16xf32>,
          %get3A_249 = vector.shape_cast %get3A_248 : vector<1x16xf32> to vector<16xf32>
          %add3A_250 = arith.addf %add3A_234, %get3A_249 : vector<16xf32>
          %add3A_251 = arith.constant 24 : i32
          %add3A_252 = arith.addi %mul3A_65, %add3A_251 : i32
          %get3A_253 = arith.index_cast %add3A_252 : i32 to index
          %get3A_254 = arith.constant 0 : index
          %get3A_255 = tpu.vector_load %arg8[%get3A_253, %get3A_254] {strides = array<i32>} : memref<1600x32xf32, #tpu.memory_space<vmem>>, vector<1x16xf32>,
          %get3A_256 = vector.shape_cast %get3A_255 : vector<1x16xf32> to vector<16xf32>
          %add3A_257 = arith.addf %add3A_241, %get3A_256 : vector<16xf32>
          %add3A_258 = arith.constant 24 : i32
          %add3A_259 = arith.addi %mul3A_65, %add3A_258 : i32
          %add3A_260 = arith.constant 1 : i32
          %add3A_261 = arith.addi %add3A_259, %add3A_260 : i32
          %get3A_262 = arith.index_cast %add3A_261 : i32 to index
          %get3A_263 = arith.constant 0 : index
          %get3A_264 = tpu.vector_load %arg8[%get3A_262, %get3A_263] {strides = array<i32>} : memref<1600x32xf32, #tpu.memory_space<vmem>>, vector<1x16xf32>,
          %get3A_265 = vector.shape_cast %get3A_264 : vector<1x16xf32> to vector<16xf32>
          %add3A_266 = arith.addf %add3A_250, %get3A_265 : vector<16xf32>
          %add3A_267 = arith.constant 26 : i32
          %add3A_268 = arith.addi %mul3A_65, %add3A_267 : i32
          %get3A_269 = arith.index_cast %add3A_268 : i32 to index
          %get3A_270 = arith.constant 0 : index
          %get3A_271 = tpu.vector_load %arg8[%get3A_269, %get3A_270] {strides = array<i32>} : memref<1600x32xf32, #tpu.memory_space<vmem>>, vector<1x16xf32>,
          %get3A_272 = vector.shape_cast %get3A_271 : vector<1x16xf32> to vector<16xf32>
          %add3A_273 = arith.addf %add3A_257, %get3A_272 : vector<16xf32>
          %add3A_274 = arith.constant 26 : i32
          %add3A_275 = arith.addi %mul3A_65, %add3A_274 : i32
          %add3A_276 = arith.constant 1 : i32
          %add3A_277 = arith.addi %add3A_275, %add3A_276 : i32
          %get3A_278 = arith.index_cast %add3A_277 : i32 to index
          %get3A_279 = arith.constant 0 : index
          %get3A_280 = tpu.vector_load %arg8[%get3A_278, %get3A_279] {strides = array<i32>} : memref<1600x32xf32, #tpu.memory_space<vmem>>, vector<1x16xf32>,
          %get3A_281 = vector.shape_cast %get3A_280 : vector<1x16xf32> to vector<16xf32>
          %add3A_282 = arith.addf %add3A_266, %get3A_281 : vector<16xf32>
          %add3A_283 = arith.constant 28 : i32
          %add3A_284 = arith.addi %mul3A_65, %add3A_283 : i32
          %get3A_285 = arith.index_cast %add3A_284 : i32 to index
          %get3A_286 = arith.constant 0 : index
          %get3A_287 = tpu.vector_load %arg8[%get3A_285, %get3A_286] {strides = array<i32>} : memref<1600x32xf32, #tpu.memory_space<vmem>>, vector<1x16xf32>,
          %get3A_288 = vector.shape_cast %get3A_287 : vector<1x16xf32> to vector<16xf32>
          %add3A_289 = arith.addf %add3A_273, %get3A_288 : vector<16xf32>
          %add3A_290 = arith.constant 28 : i32
          %add3A_291 = arith.addi %mul3A_65, %add3A_290 : i32
          %add3A_292 = arith.constant 1 : i32
          %add3A_293 = arith.addi %add3A_291, %add3A_292 : i32
          %get3A_294 = arith.index_cast %add3A_293 : i32 to index
          %get3A_295 = arith.constant 0 : index
          %get3A_296 = tpu.vector_load %arg8[%get3A_294, %get3A_295] {strides = array<i32>} : memref<1600x32xf32, #tpu.memory_space<vmem>>, vector<1x16xf32>,
          %get3A_297 = vector.shape_cast %get3A_296 : vector<1x16xf32> to vector<16xf32>
          %add3A_298 = arith.addf %add3A_282, %get3A_297 : vector<16xf32>
          %add3A_299 = arith.constant 30 : i32
          %add3A_300 = arith.addi %mul3A_65, %add3A_299 : i32
          %get3A_301 = arith.index_cast %add3A_300 : i32 to index
          %get3A_302 = arith.constant 0 : index
          %get3A_303 = tpu.vector_load %arg8[%get3A_301, %get3A_302] {strides = array<i32>} : memref<1600x32xf32, #tpu.memory_space<vmem>>, vector<1x16xf32>,
          %get3A_304 = vector.shape_cast %get3A_303 : vector<1x16xf32> to vector<16xf32>
          %add3A_305 = arith.addf %add3A_289, %get3A_304 : vector<16xf32>
          %add3A_306 = arith.constant 30 : i32
          %add3A_307 = arith.addi %mul3A_65, %add3A_306 : i32
          %add3A_308 = arith.constant 1 : i32
          %add3A_309 = arith.addi %add3A_307, %add3A_308 : i32
          %get3A_310 = arith.index_cast %add3A_309 : i32 to index
          %get3A_311 = arith.constant 0 : index
          %get3A_312 = tpu.vector_load %arg8[%get3A_310, %get3A_311] {strides = array<i32>} : memref<1600x32xf32, #tpu.memory_space<vmem>>, vector<1x16xf32>,
          %get3A_313 = vector.shape_cast %get3A_312 : vector<1x16xf32> to vector<16xf32>
          %add3A_314 = arith.addf %add3A_298, %get3A_313 : vector<16xf32>
          %add3A_315 = arith.constant 32 : i32
          %add3A_316 = arith.addi %mul3A_65, %add3A_315 : i32
          %get3A_317 = arith.index_cast %add3A_316 : i32 to index
          %get3A_318 = arith.constant 0 : index
          %get3A_319 = tpu.vector_load %arg8[%get3A_317, %get3A_318] {strides = array<i32>} : memref<1600x32xf32, #tpu.memory_space<vmem>>, vector<1x16xf32>,
          %get3A_320 = vector.shape_cast %get3A_319 : vector<1x16xf32> to vector<16xf32>
          %add3A_321 = arith.addf %add3A_305, %get3A_320 : vector<16xf32>
          %add3A_322 = arith.constant 32 : i32
          %add3A_323 = arith.addi %mul3A_65, %add3A_322 : i32
          %add3A_324 = arith.constant 1 : i32
          %add3A_325 = arith.addi %add3A_323, %add3A_324 : i32
          %get3A_326 = arith.index_cast %add3A_325 : i32 to index
          %get3A_327 = arith.constant 0 : index
          %get3A_328 = tpu.vector_load %arg8[%get3A_326, %get3A_327] {strides = array<i32>} : memref<1600x32xf32, #tpu.memory_space<vmem>>, vector<1x16xf32>,
          %get3A_329 = vector.shape_cast %get3A_328 : vector<1x16xf32> to vector<16xf32>
          %add3A_330 = arith.addf %add3A_314, %get3A_329 : vector<16xf32>
          %add3A_331 = arith.constant 34 : i32
          %add3A_332 = arith.addi %mul3A_65, %add3A_331 : i32
          %get3A_333 = arith.index_cast %add3A_332 : i32 to index
          %get3A_334 = arith.constant 0 : index
          %get3A_335 = tpu.vector_load %arg8[%get3A_333, %get3A_334] {strides = array<i32>} : memref<1600x32xf32, #tpu.memory_space<vmem>>, vector<1x16xf32>,
          %get3A_336 = vector.shape_cast %get3A_335 : vector<1x16xf32> to vector<16xf32>
          %add3A_337 = arith.addf %add3A_321, %get3A_336 : vector<16xf32>
          %add3A_338 = arith.constant 34 : i32
          %add3A_339 = arith.addi %mul3A_65, %add3A_338 : i32
          %add3A_340 = arith.constant 1 : i32
          %add3A_341 = arith.addi %add3A_339, %add3A_340 : i32
          %get3A_342 = arith.index_cast %add3A_341 : i32 to index
          %get3A_343 = arith.constant 0 : index
          %get3A_344 = tpu.vector_load %arg8[%get3A_342, %get3A_343] {strides = array<i32>} : memref<1600x32xf32, #tpu.memory_space<vmem>>, vector<1x16xf32>,
          %get3A_345 = vector.shape_cast %get3A_344 : vector<1x16xf32> to vector<16xf32>
          %add3A_346 = arith.addf %add3A_330, %get3A_345 : vector<16xf32>
          %add3A_347 = arith.constant 36 : i32
          %add3A_348 = arith.addi %mul3A_65, %add3A_347 : i32
          %get3A_349 = arith.index_cast %add3A_348 : i32 to index
          %get3A_350 = arith.constant 0 : index
          %get3A_351 = tpu.vector_load %arg8[%get3A_349, %get3A_350] {strides = array<i32>} : memref<1600x32xf32, #tpu.memory_space<vmem>>, vector<1x16xf32>,
          %get3A_352 = vector.shape_cast %get3A_351 : vector<1x16xf32> to vector<16xf32>
          %add3A_353 = arith.addf %add3A_337, %get3A_352 : vector<16xf32>
          %add3A_354 = arith.constant 36 : i32
          %add3A_355 = arith.addi %mul3A_65, %add3A_354 : i32
          %add3A_356 = arith.constant 1 : i32
          %add3A_357 = arith.addi %add3A_355, %add3A_356 : i32
          %get3A_358 = arith.index_cast %add3A_357 : i32 to index
          %get3A_359 = arith.constant 0 : index
          %get3A_360 = tpu.vector_load %arg8[%get3A_358, %get3A_359] {strides = array<i32>} : memref<1600x32xf32, #tpu.memory_space<vmem>>, vector<1x16xf32>,
          %get3A_361 = vector.shape_cast %get3A_360 : vector<1x16xf32> to vector<16xf32>
          %add3A_362 = arith.addf %add3A_346, %get3A_361 : vector<16xf32>
          %add3A_363 = arith.constant 38 : i32
          %add3A_364 = arith.addi %mul3A_65, %add3A_363 : i32
          %get3A_365 = arith.index_cast %add3A_364 : i32 to index
          %get3A_366 = arith.constant 0 : index
          %get3A_367 = tpu.vector_load %arg8[%get3A_365, %get3A_366] {strides = array<i32>} : memref<1600x32xf32, #tpu.memory_space<vmem>>, vector<1x16xf32>,
          %get3A_368 = vector.shape_cast %get3A_367 : vector<1x16xf32> to vector<16xf32>
          %add3A_369 = arith.addf %add3A_353, %get3A_368 : vector<16xf32>
          %add3A_370 = arith.constant 38 : i32
          %add3A_371 = arith.addi %mul3A_65, %add3A_370 : i32
          %add3A_372 = arith.constant 1 : i32
          %add3A_373 = arith.addi %add3A_371, %add3A_372 : i32
          %get3A_374 = arith.index_cast %add3A_373 : i32 to index
          %get3A_375 = arith.constant 0 : index
          %get3A_376 = tpu.vector_load %arg8[%get3A_374, %get3A_375] {strides = array<i32>} : memref<1600x32xf32, #tpu.memory_space<vmem>>, vector<1x16xf32>,
          %get3A_377 = vector.shape_cast %get3A_376 : vector<1x16xf32> to vector<16xf32>
          %add3A_378 = arith.addf %add3A_362, %get3A_377 : vector<16xf32>
          %add3A_379 = arith.constant 40 : i32
          %add3A_380 = arith.addi %mul3A_65, %add3A_379 : i32
          %get3A_381 = arith.index_cast %add3A_380 : i32 to index
          %get3A_382 = arith.constant 0 : index
          %get3A_383 = tpu.vector_load %arg8[%get3A_381, %get3A_382] {strides = array<i32>} : memref<1600x32xf32, #tpu.memory_space<vmem>>, vector<1x16xf32>,
          %get3A_384 = vector.shape_cast %get3A_383 : vector<1x16xf32> to vector<16xf32>
          %add3A_385 = arith.addf %add3A_369, %get3A_384 : vector<16xf32>
          %add3A_386 = arith.constant 40 : i32
          %add3A_387 = arith.addi %mul3A_65, %add3A_386 : i32
          %add3A_388 = arith.constant 1 : i32
          %add3A_389 = arith.addi %add3A_387, %add3A_388 : i32
          %get3A_390 = arith.index_cast %add3A_389 : i32 to index
          %get3A_391 = arith.constant 0 : index
          %get3A_392 = tpu.vector_load %arg8[%get3A_390, %get3A_391] {strides = array<i32>} : memref<1600x32xf32, #tpu.memory_space<vmem>>, vector<1x16xf32>,
          %get3A_393 = vector.shape_cast %get3A_392 : vector<1x16xf32> to vector<16xf32>
          %add3A_394 = arith.addf %add3A_378, %get3A_393 : vector<16xf32>
          %add3A_395 = arith.constant 42 : i32
          %add3A_396 = arith.addi %mul3A_65, %add3A_395 : i32
          %get3A_397 = arith.index_cast %add3A_396 : i32 to index
          %get3A_398 = arith.constant 0 : index
          %get3A_399 = tpu.vector_load %arg8[%get3A_397, %get3A_398] {strides = array<i32>} : memref<1600x32xf32, #tpu.memory_space<vmem>>, vector<1x16xf32>,
          %get3A_400 = vector.shape_cast %get3A_399 : vector<1x16xf32> to vector<16xf32>
          %add3A_401 = arith.addf %add3A_385, %get3A_400 : vector<16xf32>
          %add3A_402 = arith.constant 42 : i32
          %add3A_403 = arith.addi %mul3A_65, %add3A_402 : i32
          %add3A_404 = arith.constant 1 : i32
          %add3A_405 = arith.addi %add3A_403, %add3A_404 : i32
          %get3A_406 = arith.index_cast %add3A_405 : i32 to index
          %get3A_407 = arith.constant 0 : index
          %get3A_408 = tpu.vector_load %arg8[%get3A_406, %get3A_407] {strides = array<i32>} : memref<1600x32xf32, #tpu.memory_space<vmem>>, vector<1x16xf32>,
          %get3A_409 = vector.shape_cast %get3A_408 : vector<1x16xf32> to vector<16xf32>
          %add3A_410 = arith.addf %add3A_394, %get3A_409 : vector<16xf32>
          %add3A_411 = arith.constant 44 : i32
          %add3A_412 = arith.addi %mul3A_65, %add3A_411 : i32
          %get3A_413 = arith.index_cast %add3A_412 : i32 to index
          %get3A_414 = arith.constant 0 : index
          %get3A_415 = tpu.vector_load %arg8[%get3A_413, %get3A_414] {strides = array<i32>} : memref<1600x32xf32, #tpu.memory_space<vmem>>, vector<1x16xf32>,
          %get3A_416 = vector.shape_cast %get3A_415 : vector<1x16xf32> to vector<16xf32>
          %add3A_417 = arith.addf %add3A_401, %get3A_416 : vector<16xf32>
          %add3A_418 = arith.constant 44 : i32
          %add3A_419 = arith.addi %mul3A_65, %add3A_418 : i32
          %add3A_420 = arith.constant 1 : i32
          %add3A_421 = arith.addi %add3A_419, %add3A_420 : i32
          %get3A_422 = arith.index_cast %add3A_421 : i32 to index
          %get3A_423 = arith.constant 0 : index
          %get3A_424 = tpu.vector_load %arg8[%get3A_422, %get3A_423] {strides = array<i32>} : memref<1600x32xf32, #tpu.memory_space<vmem>>, vector<1x16xf32>,
          %get3A_425 = vector.shape_cast %get3A_424 : vector<1x16xf32> to vector<16xf32>
          %add3A_426 = arith.addf %add3A_410, %get3A_425 : vector<16xf32>
          %add3A_427 = arith.constant 46 : i32
          %add3A_428 = arith.addi %mul3A_65, %add3A_427 : i32
          %get3A_429 = arith.index_cast %add3A_428 : i32 to index
          %get3A_430 = arith.constant 0 : index
          %get3A_431 = tpu.vector_load %arg8[%get3A_429, %get3A_430] {strides = array<i32>} : memref<1600x32xf32, #tpu.memory_space<vmem>>, vector<1x16xf32>,
          %get3A_432 = vector.shape_cast %get3A_431 : vector<1x16xf32> to vector<16xf32>
          %add3A_433 = arith.addf %add3A_417, %get3A_432 : vector<16xf32>
          %add3A_434 = arith.constant 46 : i32
          %add3A_435 = arith.addi %mul3A_65, %add3A_434 : i32
          %add3A_436 = arith.constant 1 : i32
          %add3A_437 = arith.addi %add3A_435, %add3A_436 : i32
          %get3A_438 = arith.index_cast %add3A_437 : i32 to index
          %get3A_439 = arith.constant 0 : index
          %get3A_440 = tpu.vector_load %arg8[%get3A_438, %get3A_439] {strides = array<i32>} : memref<1600x32xf32, #tpu.memory_space<vmem>>, vector<1x16xf32>,
          %get3A_441 = vector.shape_cast %get3A_440 : vector<1x16xf32> to vector<16xf32>
          %add3A_442 = arith.addf %add3A_426, %get3A_441 : vector<16xf32>
          %add3A_443 = arith.constant 48 : i32
          %add3A_444 = arith.addi %mul3A_65, %add3A_443 : i32
          %get3A_445 = arith.index_cast %add3A_444 : i32 to index
          %get3A_446 = arith.constant 0 : index
          %get3A_447 = tpu.vector_load %arg8[%get3A_445, %get3A_446] {strides = array<i32>} : memref<1600x32xf32, #tpu.memory_space<vmem>>, vector<1x16xf32>,
          %get3A_448 = vector.shape_cast %get3A_447 : vector<1x16xf32> to vector<16xf32>
          %add3A_449 = arith.addf %add3A_433, %get3A_448 : vector<16xf32>
          %add3A_450 = arith.constant 48 : i32
          %add3A_451 = arith.addi %mul3A_65, %add3A_450 : i32
          %add3A_452 = arith.constant 1 : i32
          %add3A_453 = arith.addi %add3A_451, %add3A_452 : i32
          %get3A_454 = arith.index_cast %add3A_453 : i32 to index
          %get3A_455 = arith.constant 0 : index
          %get3A_456 = tpu.vector_load %arg8[%get3A_454, %get3A_455] {strides = array<i32>} : memref<1600x32xf32, #tpu.memory_space<vmem>>, vector<1x16xf32>,
          %get3A_457 = vector.shape_cast %get3A_456 : vector<1x16xf32> to vector<16xf32>
          %add3A_458 = arith.addf %add3A_442, %get3A_457 : vector<16xf32>
          %add3A_459 = arith.addf %add3A_449, %add3A_458 : vector<16xf32>
          %swap3A = arith.index_cast %scan3A_63 : i32 to index
          %swap3A_460 = arith.constant 0 : index
          %swap3A_461 = tpu.vector_load %arg9[%swap3A, %swap3A_460] {strides = array<i32>} : memref<32x32xf32, #tpu.memory_space<vmem>>, vector<1x16xf32>,
          %swap3A_462 = vector.shape_cast %swap3A_461 : vector<1x16xf32> to vector<16xf32>
          %swap3A_463 = vector.shape_cast %add3A_459 : vector<16xf32> to vector<1x16xf32>
          tpu.vector_store %arg9[%swap3A, %swap3A_460], %swap3A_463 {strides = array<i32>} : memref<32x32xf32, #tpu.memory_space<vmem>>, vector<1x16xf32>,
          %get3A_464 = arith.index_cast %mul3A_65 : i32 to index
          %get3A_465 = arith.constant 16 : index
          %get3A_466 = tpu.vector_load %arg8[%get3A_464, %get3A_465] {strides = array<i32>} : memref<1600x32xf32, #tpu.memory_space<vmem>>, vector<1x16xf32>,
          %get3A_467 = vector.shape_cast %get3A_466 : vector<1x16xf32> to vector<16xf32>
          %add3A_468 = arith.constant 1 : i32
          %add3A_469 = arith.addi %mul3A_65, %add3A_468 : i32
          %get3A_470 = arith.index_cast %add3A_469 : i32 to index
          %get3A_471 = arith.constant 16 : index
          %get3A_472 = tpu.vector_load %arg8[%get3A_470, %get3A_471] {strides = array<i32>} : memref<1600x32xf32, #tpu.memory_space<vmem>>, vector<1x16xf32>,
          %get3A_473 = vector.shape_cast %get3A_472 : vector<1x16xf32> to vector<16xf32>
          %add3A_474 = arith.constant 2 : i32
          %add3A_475 = arith.addi %mul3A_65, %add3A_474 : i32
          %get3A_476 = arith.index_cast %add3A_475 : i32 to index
          %get3A_477 = arith.constant 16 : index
          %get3A_478 = tpu.vector_load %arg8[%get3A_476, %get3A_477] {strides = array<i32>} : memref<1600x32xf32, #tpu.memory_space<vmem>>, vector<1x16xf32>,
          %get3A_479 = vector.shape_cast %get3A_478 : vector<1x16xf32> to vector<16xf32>
          %add3A_480 = arith.addf %get3A_467, %get3A_479 : vector<16xf32>
          %add3A_481 = arith.constant 2 : i32
          %add3A_482 = arith.addi %mul3A_65, %add3A_481 : i32
          %add3A_483 = arith.constant 1 : i32
          %add3A_484 = arith.addi %add3A_482, %add3A_483 : i32
          %get3A_485 = arith.index_cast %add3A_484 : i32 to index
          %get3A_486 = arith.constant 16 : index
          %get3A_487 = tpu.vector_load %arg8[%get3A_485, %get3A_486] {strides = array<i32>} : memref<1600x32xf32, #tpu.memory_space<vmem>>, vector<1x16xf32>,
          %get3A_488 = vector.shape_cast %get3A_487 : vector<1x16xf32> to vector<16xf32>
          %add3A_489 = arith.addf %get3A_473, %get3A_488 : vector<16xf32>
          %add3A_490 = arith.constant 4 : i32
          %add3A_491 = arith.addi %mul3A_65, %add3A_490 : i32
          %get3A_492 = arith.index_cast %add3A_491 : i32 to index
          %get3A_493 = arith.constant 16 : index
          %get3A_494 = tpu.vector_load %arg8[%get3A_492, %get3A_493] {strides = array<i32>} : memref<1600x32xf32, #tpu.memory_space<vmem>>, vector<1x16xf32>,
          %get3A_495 = vector.shape_cast %get3A_494 : vector<1x16xf32> to vector<16xf32>
          %add3A_496 = arith.addf %add3A_480, %get3A_495 : vector<16xf32>
          %add3A_497 = arith.constant 4 : i32
          %add3A_498 = arith.addi %mul3A_65, %add3A_497 : i32
          %add3A_499 = arith.constant 1 : i32
          %add3A_500 = arith.addi %add3A_498, %add3A_499 : i32
          %get3A_501 = arith.index_cast %add3A_500 : i32 to index
          %get3A_502 = arith.constant 16 : index
          %get3A_503 = tpu.vector_load %arg8[%get3A_501, %get3A_502] {strides = array<i32>} : memref<1600x32xf32, #tpu.memory_space<vmem>>, vector<1x16xf32>,
          %get3A_504 = vector.shape_cast %get3A_503 : vector<1x16xf32> to vector<16xf32>
          %add3A_505 = arith.addf %add3A_489, %get3A_504 : vector<16xf32>
          %add3A_506 = arith.constant 6 : i32
          %add3A_507 = arith.addi %mul3A_65, %add3A_506 : i32
          %get3A_508 = arith.index_cast %add3A_507 : i32 to index
          %get3A_509 = arith.constant 16 : index
          %get3A_510 = tpu.vector_load %arg8[%get3A_508, %get3A_509] {strides = array<i32>} : memref<1600x32xf32, #tpu.memory_space<vmem>>, vector<1x16xf32>,
          %get3A_511 = vector.shape_cast %get3A_510 : vector<1x16xf32> to vector<16xf32>
          %add3A_512 = arith.addf %add3A_496, %get3A_511 : vector<16xf32>
          %add3A_513 = arith.constant 6 : i32
          %add3A_514 = arith.addi %mul3A_65, %add3A_513 : i32
          %add3A_515 = arith.constant 1 : i32
          %add3A_516 = arith.addi %add3A_514, %add3A_515 : i32
          %get3A_517 = arith.index_cast %add3A_516 : i32 to index
          %get3A_518 = arith.constant 16 : index
          %get3A_519 = tpu.vector_load %arg8[%get3A_517, %get3A_518] {strides = array<i32>} : memref<1600x32xf32, #tpu.memory_space<vmem>>, vector<1x16xf32>,
          %get3A_520 = vector.shape_cast %get3A_519 : vector<1x16xf32> to vector<16xf32>
          %add3A_521 = arith.addf %add3A_505, %get3A_520 : vector<16xf32>
          %add3A_522 = arith.constant 8 : i32
          %add3A_523 = arith.addi %mul3A_65, %add3A_522 : i32
          %get3A_524 = arith.index_cast %add3A_523 : i32 to index
          %get3A_525 = arith.constant 16 : index
          %get3A_526 = tpu.vector_load %arg8[%get3A_524, %get3A_525] {strides = array<i32>} : memref<1600x32xf32, #tpu.memory_space<vmem>>, vector<1x16xf32>,
          %get3A_527 = vector.shape_cast %get3A_526 : vector<1x16xf32> to vector<16xf32>
          %add3A_528 = arith.addf %add3A_512, %get3A_527 : vector<16xf32>
          %add3A_529 = arith.constant 8 : i32
          %add3A_530 = arith.addi %mul3A_65, %add3A_529 : i32
          %add3A_531 = arith.constant 1 : i32
          %add3A_532 = arith.addi %add3A_530, %add3A_531 : i32
          %get3A_533 = arith.index_cast %add3A_532 : i32 to index
          %get3A_534 = arith.constant 16 : index
          %get3A_535 = tpu.vector_load %arg8[%get3A_533, %get3A_534] {strides = array<i32>} : memref<1600x32xf32, #tpu.memory_space<vmem>>, vector<1x16xf32>,
          %get3A_536 = vector.shape_cast %get3A_535 : vector<1x16xf32> to vector<16xf32>
          %add3A_537 = arith.addf %add3A_521, %get3A_536 : vector<16xf32>
          %add3A_538 = arith.constant 10 : i32
          %add3A_539 = arith.addi %mul3A_65, %add3A_538 : i32
          %get3A_540 = arith.index_cast %add3A_539 : i32 to index
          %get3A_541 = arith.constant 16 : index
          %get3A_542 = tpu.vector_load %arg8[%get3A_540, %get3A_541] {strides = array<i32>} : memref<1600x32xf32, #tpu.memory_space<vmem>>, vector<1x16xf32>,
          %get3A_543 = vector.shape_cast %get3A_542 : vector<1x16xf32> to vector<16xf32>
          %add3A_544 = arith.addf %add3A_528, %get3A_543 : vector<16xf32>
          %add3A_545 = arith.constant 10 : i32
          %add3A_546 = arith.addi %mul3A_65, %add3A_545 : i32
          %add3A_547 = arith.constant 1 : i32
          %add3A_548 = arith.addi %add3A_546, %add3A_547 : i32
          %get3A_549 = arith.index_cast %add3A_548 : i32 to index
          %get3A_550 = arith.constant 16 : index
          %get3A_551 = tpu.vector_load %arg8[%get3A_549, %get3A_550] {strides = array<i32>} : memref<1600x32xf32, #tpu.memory_space<vmem>>, vector<1x16xf32>,
          %get3A_552 = vector.shape_cast %get3A_551 : vector<1x16xf32> to vector<16xf32>
          %add3A_553 = arith.addf %add3A_537, %get3A_552 : vector<16xf32>
          %add3A_554 = arith.constant 12 : i32
          %add3A_555 = arith.addi %mul3A_65, %add3A_554 : i32
          %get3A_556 = arith.index_cast %add3A_555 : i32 to index
          %get3A_557 = arith.constant 16 : index
          %get3A_558 = tpu.vector_load %arg8[%get3A_556, %get3A_557] {strides = array<i32>} : memref<1600x32xf32, #tpu.memory_space<vmem>>, vector<1x16xf32>,
          %get3A_559 = vector.shape_cast %get3A_558 : vector<1x16xf32> to vector<16xf32>
          %add3A_560 = arith.addf %add3A_544, %get3A_559 : vector<16xf32>
          %add3A_561 = arith.constant 12 : i32
          %add3A_562 = arith.addi %mul3A_65, %add3A_561 : i32
          %add3A_563 = arith.constant 1 : i32
          %add3A_564 = arith.addi %add3A_562, %add3A_563 : i32
          %get3A_565 = arith.index_cast %add3A_564 : i32 to index
          %get3A_566 = arith.constant 16 : index
          %get3A_567 = tpu.vector_load %arg8[%get3A_565, %get3A_566] {strides = array<i32>} : memref<1600x32xf32, #tpu.memory_space<vmem>>, vector<1x16xf32>,
          %get3A_568 = vector.shape_cast %get3A_567 : vector<1x16xf32> to vector<16xf32>
          %add3A_569 = arith.addf %add3A_553, %get3A_568 : vector<16xf32>
          %add3A_570 = arith.constant 14 : i32
          %add3A_571 = arith.addi %mul3A_65, %add3A_570 : i32
          %get3A_572 = arith.index_cast %add3A_571 : i32 to index
          %get3A_573 = arith.constant 16 : index
          %get3A_574 = tpu.vector_load %arg8[%get3A_572, %get3A_573] {strides = array<i32>} : memref<1600x32xf32, #tpu.memory_space<vmem>>, vector<1x16xf32>,
          %get3A_575 = vector.shape_cast %get3A_574 : vector<1x16xf32> to vector<16xf32>
          %add3A_576 = arith.addf %add3A_560, %get3A_575 : vector<16xf32>
          %add3A_577 = arith.constant 14 : i32
          %add3A_578 = arith.addi %mul3A_65, %add3A_577 : i32
          %add3A_579 = arith.constant 1 : i32
          %add3A_580 = arith.addi %add3A_578, %add3A_579 : i32
          %get3A_581 = arith.index_cast %add3A_580 : i32 to index
          %get3A_582 = arith.constant 16 : index
          %get3A_583 = tpu.vector_load %arg8[%get3A_581, %get3A_582] {strides = array<i32>} : memref<1600x32xf32, #tpu.memory_space<vmem>>, vector<1x16xf32>,
          %get3A_584 = vector.shape_cast %get3A_583 : vector<1x16xf32> to vector<16xf32>
          %add3A_585 = arith.addf %add3A_569, %get3A_584 : vector<16xf32>
          %add3A_586 = arith.constant 16 : i32
          %add3A_587 = arith.addi %mul3A_65, %add3A_586 : i32
          %get3A_588 = arith.index_cast %add3A_587 : i32 to index
          %get3A_589 = arith.constant 16 : index
          %get3A_590 = tpu.vector_load %arg8[%get3A_588, %get3A_589] {strides = array<i32>} : memref<1600x32xf32, #tpu.memory_space<vmem>>, vector<1x16xf32>,
          %get3A_591 = vector.shape_cast %get3A_590 : vector<1x16xf32> to vector<16xf32>
          %add3A_592 = arith.addf %add3A_576, %get3A_591 : vector<16xf32>
          %add3A_593 = arith.constant 16 : i32
          %add3A_594 = arith.addi %mul3A_65, %add3A_593 : i32
          %add3A_595 = arith.constant 1 : i32
          %add3A_596 = arith.addi %add3A_594, %add3A_595 : i32
          %get3A_597 = arith.index_cast %add3A_596 : i32 to index
          %get3A_598 = arith.constant 16 : index
          %get3A_599 = tpu.vector_load %arg8[%get3A_597, %get3A_598] {strides = array<i32>} : memref<1600x32xf32, #tpu.memory_space<vmem>>, vector<1x16xf32>,
          %get3A_600 = vector.shape_cast %get3A_599 : vector<1x16xf32> to vector<16xf32>
          %add3A_601 = arith.addf %add3A_585, %get3A_600 : vector<16xf32>
          %add3A_602 = arith.constant 18 : i32
          %add3A_603 = arith.addi %mul3A_65, %add3A_602 : i32
          %get3A_604 = arith.index_cast %add3A_603 : i32 to index
          %get3A_605 = arith.constant 16 : index
          %get3A_606 = tpu.vector_load %arg8[%get3A_604, %get3A_605] {strides = array<i32>} : memref<1600x32xf32, #tpu.memory_space<vmem>>, vector<1x16xf32>,
          %get3A_607 = vector.shape_cast %get3A_606 : vector<1x16xf32> to vector<16xf32>
          %add3A_608 = arith.addf %add3A_592, %get3A_607 : vector<16xf32>
          %add3A_609 = arith.constant 18 : i32
          %add3A_610 = arith.addi %mul3A_65, %add3A_609 : i32
          %add3A_611 = arith.constant 1 : i32
          %add3A_612 = arith.addi %add3A_610, %add3A_611 : i32
          %get3A_613 = arith.index_cast %add3A_612 : i32 to index
          %get3A_614 = arith.constant 16 : index
          %get3A_615 = tpu.vector_load %arg8[%get3A_613, %get3A_614] {strides = array<i32>} : memref<1600x32xf32, #tpu.memory_space<vmem>>, vector<1x16xf32>,
          %get3A_616 = vector.shape_cast %get3A_615 : vector<1x16xf32> to vector<16xf32>
          %add3A_617 = arith.addf %add3A_601, %get3A_616 : vector<16xf32>
          %add3A_618 = arith.constant 20 : i32
          %add3A_619 = arith.addi %mul3A_65, %add3A_618 : i32
          %get3A_620 = arith.index_cast %add3A_619 : i32 to index
          %get3A_621 = arith.constant 16 : index
          %get3A_622 = tpu.vector_load %arg8[%get3A_620, %get3A_621] {strides = array<i32>} : memref<1600x32xf32, #tpu.memory_space<vmem>>, vector<1x16xf32>,
          %get3A_623 = vector.shape_cast %get3A_622 : vector<1x16xf32> to vector<16xf32>
          %add3A_624 = arith.addf %add3A_608, %get3A_623 : vector<16xf32>
          %add3A_625 = arith.constant 20 : i32
          %add3A_626 = arith.addi %mul3A_65, %add3A_625 : i32
          %add3A_627 = arith.constant 1 : i32
          %add3A_628 = arith.addi %add3A_626, %add3A_627 : i32
          %get3A_629 = arith.index_cast %add3A_628 : i32 to index
          %get3A_630 = arith.constant 16 : index
          %get3A_631 = tpu.vector_load %arg8[%get3A_629, %get3A_630] {strides = array<i32>} : memref<1600x32xf32, #tpu.memory_space<vmem>>, vector<1x16xf32>,
          %get3A_632 = vector.shape_cast %get3A_631 : vector<1x16xf32> to vector<16xf32>
          %add3A_633 = arith.addf %add3A_617, %get3A_632 : vector<16xf32>
          %add3A_634 = arith.constant 22 : i32
          %add3A_635 = arith.addi %mul3A_65, %add3A_634 : i32
          %get3A_636 = arith.index_cast %add3A_635 : i32 to index
          %get3A_637 = arith.constant 16 : index
          %get3A_638 = tpu.vector_load %arg8[%get3A_636, %get3A_637] {strides = array<i32>} : memref<1600x32xf32, #tpu.memory_space<vmem>>, vector<1x16xf32>,
          %get3A_639 = vector.shape_cast %get3A_638 : vector<1x16xf32> to vector<16xf32>
          %add3A_640 = arith.addf %add3A_624, %get3A_639 : vector<16xf32>
          %add3A_641 = arith.constant 22 : i32
          %add3A_642 = arith.addi %mul3A_65, %add3A_641 : i32
          %add3A_643 = arith.constant 1 : i32
          %add3A_644 = arith.addi %add3A_642, %add3A_643 : i32
          %get3A_645 = arith.index_cast %add3A_644 : i32 to index
          %get3A_646 = arith.constant 16 : index
          %get3A_647 = tpu.vector_load %arg8[%get3A_645, %get3A_646] {strides = array<i32>} : memref<1600x32xf32, #tpu.memory_space<vmem>>, vector<1x16xf32>,
          %get3A_648 = vector.shape_cast %get3A_647 : vector<1x16xf32> to vector<16xf32>
          %add3A_649 = arith.addf %add3A_633, %get3A_648 : vector<16xf32>
          %add3A_650 = arith.constant 24 : i32
          %add3A_651 = arith.addi %mul3A_65, %add3A_650 : i32
          %get3A_652 = arith.index_cast %add3A_651 : i32 to index
          %get3A_653 = arith.constant 16 : index
          %get3A_654 = tpu.vector_load %arg8[%get3A_652, %get3A_653] {strides = array<i32>} : memref<1600x32xf32, #tpu.memory_space<vmem>>, vector<1x16xf32>,
          %get3A_655 = vector.shape_cast %get3A_654 : vector<1x16xf32> to vector<16xf32>
          %add3A_656 = arith.addf %add3A_640, %get3A_655 : vector<16xf32>
          %add3A_657 = arith.constant 24 : i32
          %add3A_658 = arith.addi %mul3A_65, %add3A_657 : i32
          %add3A_659 = arith.constant 1 : i32
          %add3A_660 = arith.addi %add3A_658, %add3A_659 : i32
          %get3A_661 = arith.index_cast %add3A_660 : i32 to index
          %get3A_662 = arith.constant 16 : index
          %get3A_663 = tpu.vector_load %arg8[%get3A_661, %get3A_662] {strides = array<i32>} : memref<1600x32xf32, #tpu.memory_space<vmem>>, vector<1x16xf32>,
          %get3A_664 = vector.shape_cast %get3A_663 : vector<1x16xf32> to vector<16xf32>
          %add3A_665 = arith.addf %add3A_649, %get3A_664 : vector<16xf32>
          %add3A_666 = arith.constant 26 : i32
          %add3A_667 = arith.addi %mul3A_65, %add3A_666 : i32
          %get3A_668 = arith.index_cast %add3A_667 : i32 to index
          %get3A_669 = arith.constant 16 : index
          %get3A_670 = tpu.vector_load %arg8[%get3A_668, %get3A_669] {strides = array<i32>} : memref<1600x32xf32, #tpu.memory_space<vmem>>, vector<1x16xf32>,
          %get3A_671 = vector.shape_cast %get3A_670 : vector<1x16xf32> to vector<16xf32>
          %add3A_672 = arith.addf %add3A_656, %get3A_671 : vector<16xf32>
          %add3A_673 = arith.constant 26 : i32
          %add3A_674 = arith.addi %mul3A_65, %add3A_673 : i32
          %add3A_675 = arith.constant 1 : i32
          %add3A_676 = arith.addi %add3A_674, %add3A_675 : i32
          %get3A_677 = arith.index_cast %add3A_676 : i32 to index
          %get3A_678 = arith.constant 16 : index
          %get3A_679 = tpu.vector_load %arg8[%get3A_677, %get3A_678] {strides = array<i32>} : memref<1600x32xf32, #tpu.memory_space<vmem>>, vector<1x16xf32>,
          %get3A_680 = vector.shape_cast %get3A_679 : vector<1x16xf32> to vector<16xf32>
          %add3A_681 = arith.addf %add3A_665, %get3A_680 : vector<16xf32>
          %add3A_682 = arith.constant 28 : i32
          %add3A_683 = arith.addi %mul3A_65, %add3A_682 : i32
          %get3A_684 = arith.index_cast %add3A_683 : i32 to index
          %get3A_685 = arith.constant 16 : index
          %get3A_686 = tpu.vector_load %arg8[%get3A_684, %get3A_685] {strides = array<i32>} : memref<1600x32xf32, #tpu.memory_space<vmem>>, vector<1x16xf32>,
          %get3A_687 = vector.shape_cast %get3A_686 : vector<1x16xf32> to vector<16xf32>
          %add3A_688 = arith.addf %add3A_672, %get3A_687 : vector<16xf32>
          %add3A_689 = arith.constant 28 : i32
          %add3A_690 = arith.addi %mul3A_65, %add3A_689 : i32
          %add3A_691 = arith.constant 1 : i32
          %add3A_692 = arith.addi %add3A_690, %add3A_691 : i32
          %get3A_693 = arith.index_cast %add3A_692 : i32 to index
          %get3A_694 = arith.constant 16 : index
          %get3A_695 = tpu.vector_load %arg8[%get3A_693, %get3A_694] {strides = array<i32>} : memref<1600x32xf32, #tpu.memory_space<vmem>>, vector<1x16xf32>,
          %get3A_696 = vector.shape_cast %get3A_695 : vector<1x16xf32> to vector<16xf32>
          %add3A_697 = arith.addf %add3A_681, %get3A_696 : vector<16xf32>
          %add3A_698 = arith.constant 30 : i32
          %add3A_699 = arith.addi %mul3A_65, %add3A_698 : i32
          %get3A_700 = arith.index_cast %add3A_699 : i32 to index
          %get3A_701 = arith.constant 16 : index
          %get3A_702 = tpu.vector_load %arg8[%get3A_700, %get3A_701] {strides = array<i32>} : memref<1600x32xf32, #tpu.memory_space<vmem>>, vector<1x16xf32>,
          %get3A_703 = vector.shape_cast %get3A_702 : vector<1x16xf32> to vector<16xf32>
          %add3A_704 = arith.addf %add3A_688, %get3A_703 : vector<16xf32>
          %add3A_705 = arith.constant 30 : i32
          %add3A_706 = arith.addi %mul3A_65, %add3A_705 : i32
          %add3A_707 = arith.constant 1 : i32
          %add3A_708 = arith.addi %add3A_706, %add3A_707 : i32
          %get3A_709 = arith.index_cast %add3A_708 : i32 to index
          %get3A_710 = arith.constant 16 : index
          %get3A_711 = tpu.vector_load %arg8[%get3A_709, %get3A_710] {strides = array<i32>} : memref<1600x32xf32, #tpu.memory_space<vmem>>, vector<1x16xf32>,
          %get3A_712 = vector.shape_cast %get3A_711 : vector<1x16xf32> to vector<16xf32>
          %add3A_713 = arith.addf %add3A_697, %get3A_712 : vector<16xf32>
          %add3A_714 = arith.constant 32 : i32
          %add3A_715 = arith.addi %mul3A_65, %add3A_714 : i32
          %get3A_716 = arith.index_cast %add3A_715 : i32 to index
          %get3A_717 = arith.constant 16 : index
          %get3A_718 = tpu.vector_load %arg8[%get3A_716, %get3A_717] {strides = array<i32>} : memref<1600x32xf32, #tpu.memory_space<vmem>>, vector<1x16xf32>,
          %get3A_719 = vector.shape_cast %get3A_718 : vector<1x16xf32> to vector<16xf32>
          %add3A_720 = arith.addf %add3A_704, %get3A_719 : vector<16xf32>
          %add3A_721 = arith.constant 32 : i32
          %add3A_722 = arith.addi %mul3A_65, %add3A_721 : i32
          %add3A_723 = arith.constant 1 : i32
          %add3A_724 = arith.addi %add3A_722, %add3A_723 : i32
          %get3A_725 = arith.index_cast %add3A_724 : i32 to index
          %get3A_726 = arith.constant 16 : index
          %get3A_727 = tpu.vector_load %arg8[%get3A_725, %get3A_726] {strides = array<i32>} : memref<1600x32xf32, #tpu.memory_space<vmem>>, vector<1x16xf32>,
          %get3A_728 = vector.shape_cast %get3A_727 : vector<1x16xf32> to vector<16xf32>
          %add3A_729 = arith.addf %add3A_713, %get3A_728 : vector<16xf32>
          %add3A_730 = arith.constant 34 : i32
          %add3A_731 = arith.addi %mul3A_65, %add3A_730 : i32
          %get3A_732 = arith.index_cast %add3A_731 : i32 to index
          %get3A_733 = arith.constant 16 : index
          %get3A_734 = tpu.vector_load %arg8[%get3A_732, %get3A_733] {strides = array<i32>} : memref<1600x32xf32, #tpu.memory_space<vmem>>, vector<1x16xf32>,
          %get3A_735 = vector.shape_cast %get3A_734 : vector<1x16xf32> to vector<16xf32>
          %add3A_736 = arith.addf %add3A_720, %get3A_735 : vector<16xf32>
          %add3A_737 = arith.constant 34 : i32
          %add3A_738 = arith.addi %mul3A_65, %add3A_737 : i32
          %add3A_739 = arith.constant 1 : i32
          %add3A_740 = arith.addi %add3A_738, %add3A_739 : i32
          %get3A_741 = arith.index_cast %add3A_740 : i32 to index
          %get3A_742 = arith.constant 16 : index
          %get3A_743 = tpu.vector_load %arg8[%get3A_741, %get3A_742] {strides = array<i32>} : memref<1600x32xf32, #tpu.memory_space<vmem>>, vector<1x16xf32>,
          %get3A_744 = vector.shape_cast %get3A_743 : vector<1x16xf32> to vector<16xf32>
          %add3A_745 = arith.addf %add3A_729, %get3A_744 : vector<16xf32>
          %add3A_746 = arith.constant 36 : i32
          %add3A_747 = arith.addi %mul3A_65, %add3A_746 : i32
          %get3A_748 = arith.index_cast %add3A_747 : i32 to index
          %get3A_749 = arith.constant 16 : index
          %get3A_750 = tpu.vector_load %arg8[%get3A_748, %get3A_749] {strides = array<i32>} : memref<1600x32xf32, #tpu.memory_space<vmem>>, vector<1x16xf32>,
          %get3A_751 = vector.shape_cast %get3A_750 : vector<1x16xf32> to vector<16xf32>
          %add3A_752 = arith.addf %add3A_736, %get3A_751 : vector<16xf32>
          %add3A_753 = arith.constant 36 : i32
          %add3A_754 = arith.addi %mul3A_65, %add3A_753 : i32
          %add3A_755 = arith.constant 1 : i32
          %add3A_756 = arith.addi %add3A_754, %add3A_755 : i32
          %get3A_757 = arith.index_cast %add3A_756 : i32 to index
          %get3A_758 = arith.constant 16 : index
          %get3A_759 = tpu.vector_load %arg8[%get3A_757, %get3A_758] {strides = array<i32>} : memref<1600x32xf32, #tpu.memory_space<vmem>>, vector<1x16xf32>,
          %get3A_760 = vector.shape_cast %get3A_759 : vector<1x16xf32> to vector<16xf32>
          %add3A_761 = arith.addf %add3A_745, %get3A_760 : vector<16xf32>
          %add3A_762 = arith.constant 38 : i32
          %add3A_763 = arith.addi %mul3A_65, %add3A_762 : i32
          %get3A_764 = arith.index_cast %add3A_763 : i32 to index
          %get3A_765 = arith.constant 16 : index
          %get3A_766 = tpu.vector_load %arg8[%get3A_764, %get3A_765] {strides = array<i32>} : memref<1600x32xf32, #tpu.memory_space<vmem>>, vector<1x16xf32>,
          %get3A_767 = vector.shape_cast %get3A_766 : vector<1x16xf32> to vector<16xf32>
          %add3A_768 = arith.addf %add3A_752, %get3A_767 : vector<16xf32>
          %add3A_769 = arith.constant 38 : i32
          %add3A_770 = arith.addi %mul3A_65, %add3A_769 : i32
          %add3A_771 = arith.constant 1 : i32
          %add3A_772 = arith.addi %add3A_770, %add3A_771 : i32
          %get3A_773 = arith.index_cast %add3A_772 : i32 to index
          %get3A_774 = arith.constant 16 : index
          %get3A_775 = tpu.vector_load %arg8[%get3A_773, %get3A_774] {strides = array<i32>} : memref<1600x32xf32, #tpu.memory_space<vmem>>, vector<1x16xf32>,
          %get3A_776 = vector.shape_cast %get3A_775 : vector<1x16xf32> to vector<16xf32>
          %add3A_777 = arith.addf %add3A_761, %get3A_776 : vector<16xf32>
          %add3A_778 = arith.constant 40 : i32
          %add3A_779 = arith.addi %mul3A_65, %add3A_778 : i32
          %get3A_780 = arith.index_cast %add3A_779 : i32 to index
          %get3A_781 = arith.constant 16 : index
          %get3A_782 = tpu.vector_load %arg8[%get3A_780, %get3A_781] {strides = array<i32>} : memref<1600x32xf32, #tpu.memory_space<vmem>>, vector<1x16xf32>,
          %get3A_783 = vector.shape_cast %get3A_782 : vector<1x16xf32> to vector<16xf32>
          %add3A_784 = arith.addf %add3A_768, %get3A_783 : vector<16xf32>
          %add3A_785 = arith.constant 40 : i32
          %add3A_786 = arith.addi %mul3A_65, %add3A_785 : i32
          %add3A_787 = arith.constant 1 : i32
          %add3A_788 = arith.addi %add3A_786, %add3A_787 : i32
          %get3A_789 = arith.index_cast %add3A_788 : i32 to index
          %get3A_790 = arith.constant 16 : index
          %get3A_791 = tpu.vector_load %arg8[%get3A_789, %get3A_790] {strides = array<i32>} : memref<1600x32xf32, #tpu.memory_space<vmem>>, vector<1x16xf32>,
          %get3A_792 = vector.shape_cast %get3A_791 : vector<1x16xf32> to vector<16xf32>
          %add3A_793 = arith.addf %add3A_777, %get3A_792 : vector<16xf32>
          %add3A_794 = arith.constant 42 : i32
          %add3A_795 = arith.addi %mul3A_65, %add3A_794 : i32
          %get3A_796 = arith.index_cast %add3A_795 : i32 to index
          %get3A_797 = arith.constant 16 : index
          %get3A_798 = tpu.vector_load %arg8[%get3A_796, %get3A_797] {strides = array<i32>} : memref<1600x32xf32, #tpu.memory_space<vmem>>, vector<1x16xf32>,
          %get3A_799 = vector.shape_cast %get3A_798 : vector<1x16xf32> to vector<16xf32>
          %add3A_800 = arith.addf %add3A_784, %get3A_799 : vector<16xf32>
          %add3A_801 = arith.constant 42 : i32
          %add3A_802 = arith.addi %mul3A_65, %add3A_801 : i32
          %add3A_803 = arith.constant 1 : i32
          %add3A_804 = arith.addi %add3A_802, %add3A_803 : i32
          %get3A_805 = arith.index_cast %add3A_804 : i32 to index
          %get3A_806 = arith.constant 16 : index
          %get3A_807 = tpu.vector_load %arg8[%get3A_805, %get3A_806] {strides = array<i32>} : memref<1600x32xf32, #tpu.memory_space<vmem>>, vector<1x16xf32>,
          %get3A_808 = vector.shape_cast %get3A_807 : vector<1x16xf32> to vector<16xf32>
          %add3A_809 = arith.addf %add3A_793, %get3A_808 : vector<16xf32>
          %add3A_810 = arith.constant 44 : i32
          %add3A_811 = arith.addi %mul3A_65, %add3A_810 : i32
          %get3A_812 = arith.index_cast %add3A_811 : i32 to index
          %get3A_813 = arith.constant 16 : index
          %get3A_814 = tpu.vector_load %arg8[%get3A_812, %get3A_813] {strides = array<i32>} : memref<1600x32xf32, #tpu.memory_space<vmem>>, vector<1x16xf32>,
          %get3A_815 = vector.shape_cast %get3A_814 : vector<1x16xf32> to vector<16xf32>
          %add3A_816 = arith.addf %add3A_800, %get3A_815 : vector<16xf32>
          %add3A_817 = arith.constant 44 : i32
          %add3A_818 = arith.addi %mul3A_65, %add3A_817 : i32
          %add3A_819 = arith.constant 1 : i32
          %add3A_820 = arith.addi %add3A_818, %add3A_819 : i32
          %get3A_821 = arith.index_cast %add3A_820 : i32 to index
          %get3A_822 = arith.constant 16 : index
          %get3A_823 = tpu.vector_load %arg8[%get3A_821, %get3A_822] {strides = array<i32>} : memref<1600x32xf32, #tpu.memory_space<vmem>>, vector<1x16xf32>,
          %get3A_824 = vector.shape_cast %get3A_823 : vector<1x16xf32> to vector<16xf32>
          %add3A_825 = arith.addf %add3A_809, %get3A_824 : vector<16xf32>
          %add3A_826 = arith.constant 46 : i32
          %add3A_827 = arith.addi %mul3A_65, %add3A_826 : i32
          %get3A_828 = arith.index_cast %add3A_827 : i32 to index
          %get3A_829 = arith.constant 16 : index
          %get3A_830 = tpu.vector_load %arg8[%get3A_828, %get3A_829] {strides = array<i32>} : memref<1600x32xf32, #tpu.memory_space<vmem>>, vector<1x16xf32>,
          %get3A_831 = vector.shape_cast %get3A_830 : vector<1x16xf32> to vector<16xf32>
          %add3A_832 = arith.addf %add3A_816, %get3A_831 : vector<16xf32>
          %add3A_833 = arith.constant 46 : i32
          %add3A_834 = arith.addi %mul3A_65, %add3A_833 : i32
          %add3A_835 = arith.constant 1 : i32
          %add3A_836 = arith.addi %add3A_834, %add3A_835 : i32
          %get3A_837 = arith.index_cast %add3A_836 : i32 to index
          %get3A_838 = arith.constant 16 : index
          %get3A_839 = tpu.vector_load %arg8[%get3A_837, %get3A_838] {strides = array<i32>} : memref<1600x32xf32, #tpu.memory_space<vmem>>, vector<1x16xf32>,
          %get3A_840 = vector.shape_cast %get3A_839 : vector<1x16xf32> to vector<16xf32>
          %add3A_841 = arith.addf %add3A_825, %get3A_840 : vector<16xf32>
          %add3A_842 = arith.constant 48 : i32
          %add3A_843 = arith.addi %mul3A_65, %add3A_842 : i32
          %get3A_844 = arith.index_cast %add3A_843 : i32 to index
          %get3A_845 = arith.constant 16 : index
          %get3A_846 = tpu.vector_load %arg8[%get3A_844, %get3A_845] {strides = array<i32>} : memref<1600x32xf32, #tpu.memory_space<vmem>>, vector<1x16xf32>,
          %get3A_847 = vector.shape_cast %get3A_846 : vector<1x16xf32> to vector<16xf32>
          %add3A_848 = arith.addf %add3A_832, %get3A_847 : vector<16xf32>
          %add3A_849 = arith.constant 48 : i32
          %add3A_850 = arith.addi %mul3A_65, %add3A_849 : i32
          %add3A_851 = arith.constant 1 : i32
          %add3A_852 = arith.addi %add3A_850, %add3A_851 : i32
          %get3A_853 = arith.index_cast %add3A_852 : i32 to index
          %get3A_854 = arith.constant 16 : index
          %get3A_855 = tpu.vector_load %arg8[%get3A_853, %get3A_854] {strides = array<i32>} : memref<1600x32xf32, #tpu.memory_space<vmem>>, vector<1x16xf32>,
          %get3A_856 = vector.shape_cast %get3A_855 : vector<1x16xf32> to vector<16xf32>
          %add3A_857 = arith.addf %add3A_841, %get3A_856 : vector<16xf32>
          %add3A_858 = arith.addf %add3A_848, %add3A_857 : vector<16xf32>
          %swap3A_859 = arith.index_cast %scan3A_63 : i32 to index
          %swap3A_860 = arith.constant 16 : index
          %swap3A_861 = tpu.vector_load %arg9[%swap3A_859, %swap3A_860] {strides = array<i32>} : memref<32x32xf32, #tpu.memory_space<vmem>>, vector<1x16xf32>,
          %swap3A_862 = vector.shape_cast %swap3A_861 : vector<1x16xf32> to vector<16xf32>
          %swap3A_863 = vector.shape_cast %add3A_858 : vector<16xf32> to vector<1x16xf32>
          tpu.vector_store %arg9[%swap3A_859, %swap3A_860], %swap3A_863 {strides = array<i32>} : memref<32x32xf32, #tpu.memory_space<vmem>>, vector<1x16xf32>,
        }
        %scan3A_59 = arith.constant 32 : i32
        %mul3A_60 = arith.constant 32 : i32
        %mul3A_61 = arith.muli %scan3A_14, %mul3A_60 : i32
        %add3A_62 = arith.addi %mul3A_2, %mul3A_61 : i32
        "tpu.region"() ({
          %run_scoped3A = tpu.sem_alloc : memref<!tpu.dma_semaphore, #tpu.memory_space<semaphore_mem>>
          %dma_start3A_63 = arith.constant 0 : i32
          %dma_start3A_64 = tpu.memref_slice %arg4[%add3A_62, %dma_start3A_63] : memref<16384x32xf32, #tpu.memory_space<hbm>> -> memref<32x32xf32, #tpu.memory_space<hbm>>
          %dma_start3A_65 = arith.constant 0 : i32
          %dma_start3A_66 = tpu.memref_slice %arg4[%add3A_62, %dma_start3A_65] : memref<16384x32xf32, #tpu.memory_space<hbm>> -> memref<32x32xf32, #tpu.memory_space<hbm>>
          tpu.enqueue_dma source(%arg9 : memref<32x32xf32, #tpu.memory_space<vmem>>) target(%dma_start3A_66 : memref<32x32xf32, #tpu.memory_space<hbm>>) target_semaphore(%run_scoped3A : memref<!tpu.dma_semaphore, #tpu.memory_space<semaphore_mem>>)
          %dma_wait3A_67 = arith.constant 0 : i32
          %dma_wait3A_68 = tpu.memref_slice %arg4[%add3A_62, %dma_wait3A_67] : memref<16384x32xf32, #tpu.memory_space<hbm>> -> memref<32x32xf32, #tpu.memory_space<hbm>>
          %dma_wait3A_69 = arith.constant 0 : i32
          %dma_wait3A_70 = tpu.memref_slice %arg4[%add3A_62, %dma_wait3A_69] : memref<16384x32xf32, #tpu.memory_space<hbm>> -> memref<32x32xf32, #tpu.memory_space<hbm>>
          tpu.wait_dma2 semaphore(%run_scoped3A : memref<!tpu.dma_semaphore, #tpu.memory_space<semaphore_mem>>) src(%arg9 : memref<32x32xf32, #tpu.memory_space<vmem>>) dst(%dma_wait3A_70 : memref<32x32xf32, #tpu.memory_space<hbm>>)
          tpu.yield
        }) : () -> ()
      } else {
      }
    }
    %scan3A_13 = arith.constant 16 : i32
    return
  }
}

module attributes {stable_mosaic.version = 14 : i64} {
  func.func @body(%arg0: i32, %arg1: memref<1000x32xf32, #tpu.memory_space<vmem>>, %arg2: memref<2048x32xf32, #tpu.memory_space<vmem>>, %arg3: memref<1000x1xf32, #tpu.memory_space<vmem>>, %arg4: memref<1000x2048xf32, #tpu.memory_space<vmem>>) attributes {dimension_semantics = [#tpu.dimension_semantics<arbitrary>], iteration_bounds = array<i64: 8>, scalar_prefetch = 0 : i64, scratch_operands = 0 : i64, tpu.core_type = #tpu.core_type<tc>, window_params = [{pipeline_mode = #tpu.pipeline_mode<synchronous>, transform_indices = @transform_0, window_bounds = array<i64: 1000, 32>}, {transform_indices = @transform_1, window_bounds = array<i64: 2048, 32>}, {pipeline_mode = #tpu.pipeline_mode<synchronous>, transform_indices = @transform_2, window_bounds = array<i64: 1000, 1>}, {transform_indices = @transform_3, window_bounds = array<i64: 1000, 2048>}]} {
    %get3A = arith.constant 0 : index
    %get3A_0 = arith.constant 0 : index
    %get3A_1 = vector.load %arg1[%get3A, %get3A_0] : memref<1000x32xf32, #tpu.memory_space<vmem>>, vector<1000x32xf32>
    %get3A_2 = arith.constant 0 : index
    %get3A_3 = arith.constant 0 : index
    %get3A_4 = vector.load %arg2[%get3A_2, %get3A_3] : memref<2048x32xf32, #tpu.memory_space<vmem>>, vector<2048x32xf32>
    %dot_general3A = arith.constant dense<0.000000e+00> : vector<1000x2048xf32>
    %dot_general3A_5 = tpu.matmul %get3A_1, %get3A_4, %dot_general3A {dimension_numbers = #tpu.dot_dimension_numbers<[1], [1], [0], [0], [0, 0, 1, 0], [], []>, transpose_lhs_hint = false} : vector<1000x32xf32>, vector<2048x32xf32>, vector<1000x2048xf32> -> vector<1000x2048xf32>
    %get3A_6 = arith.constant 0 : index
    %get3A_7 = arith.constant 0 : index
    %get3A_8 = vector.load %arg3[%get3A_6, %get3A_7] : memref<1000x1xf32, #tpu.memory_space<vmem>>, vector<1000x1xf32>
    %add3A = vector.broadcast %get3A_8 : vector<1000x1xf32> to vector<1000x2048xf32>
    %add3A_9 = arith.addf %dot_general3A_5, %add3A : vector<1000x2048xf32>
    %swap3A = arith.constant 0 : index
    %swap3A_10 = arith.constant 0 : index
    %swap3A_11 = vector.load %arg4[%swap3A, %swap3A_10] : memref<1000x2048xf32, #tpu.memory_space<vmem>>, vector<1000x2048xf32>
    tpu.vector_store %arg4[%swap3A, %swap3A_10], %add3A_9 {strides = array<i32>} : memref<1000x2048xf32, #tpu.memory_space<vmem>>, vector<1000x2048xf32>,
    return
  }
  func.func @transform_0(%arg0: i32) -> (i32, i32) {
    %c0_i32 = arith.constant 0 : i32
    %c0_i32_0 = arith.constant 0 : i32
    %c0_i32_1 = arith.constant 0 : i32
    return %c0_i32, %c0_i32_0 : i32, i32
  }
  func.func @transform_1(%arg0: i32) -> (i32, i32) {
    %c0_i32 = arith.constant 0 : i32
    %c0_i32_0 = arith.constant 0 : i32
    return %arg0, %c0_i32 : i32, i32
  }
  func.func @transform_2(%arg0: i32) -> (i32, i32) {
    %c0_i32 = arith.constant 0 : i32
    %c0_i32_0 = arith.constant 0 : i32
    %c0_i32_1 = arith.constant 0 : i32
    return %c0_i32, %c0_i32_0 : i32, i32
  }
  func.func @transform_3(%arg0: i32) -> (i32, i32) {
    %c0_i32 = arith.constant 0 : i32
    %c0_i32_0 = arith.constant 0 : i32
    return %c0_i32, %arg0 : i32, i32
  }
}

</mosaic_0001>

<sc_bundles>
// kernel: kernel.4.cloned.1.call-start
scs
__scs_entry_jumppad:
0x0: {  	(pc) =	sbr.rel $0x88, $3  }
0x1: {  	(tag) =	ssettag $0x0;
	lr =	simm.s32 $0x1  }
0x2: {  	[smem:$0x3F9D] =	sst lr;
	_ =	strace $0xD0000000  }
0x3: {  	_ = 	snop  }
0x4: {  	_ = 	snop  }
0x5: {  	_ = 	snop  }
0x6: {  	_ = 	snop  }
0x7: {  	_ = 	snop  }
__scs_overlays_trampoline_lowered:
0x8: {  	[smem:$0x3FAC] =	sst s0  }
0x9: {  	[smem:$0x3FAD] =	sst s1  }
0xa: {  	[smem:$0x3FAE] =	sst s2  }
0xb: {  	[smem:$0x3FAF] =	sst s3  }
0xc: {  	[smem:$0x3FB0] =	sst s4  }
0xd: {  	[smem:$0x3FB1] =	sst s5  }
0xe: {  	[smem:$0x3FB2] =	sst s6  }
0xf: {  	[smem:$0x3FB3] =	sst s7  }
0x10: {  	[smem:$0x3FB4] =	sst s8  }
0x11: {  	[smem:$0x3FB5] =	sst s9;
	s0 =	simm.s32 @!p0 $0x0  }
0x12: {  	s1 =	sld [smem:$0x3F9B];
	s0 =	simm.s32 @p0 $0x1  }
0x13: {  	[smem:$0x3FB6] =	sst s0;
	s0 =	simm.s32 @!p1 $0x0  }
0x14: {  	s2 =	sld [smem:$0x3F9A];
	s0 =	simm.s32 @p1 $0x1  }
0x15: {  	[smem:$0x3FB7] =	sst s0;
	s0 =	simm.s32 @!p2 $0x0  }
0x16: {  	s3 =	sld [smem:$0x3FDB];
	s0 =	simm.s32 @p2 $0x1  }
0x17: {  	s4 =	simm.s32 $0x1BF5;
	[smem:$0x3FB9] =	sst s0  }
0x18: {  	s0 =	sld [smem:$0x3F9C];
	_ =	swait.ge [sflag:s4], $0x0  }
0x19: {  	s7 =	sld [smem:$0x3F9D]  }
0x1a: {  	s8 =	sadd.s32 $0xFFFFE003, lr  }
0x1b: {  	s9 =	sadd.s32 $0xFFFFFEF7, lr;
	s5 =	simm.s32 $0xFFFFFFFF;
	p2 =	slt.u32 s8, $0xFFFFF086  }
0x1c: {  	p1 =	slt.u32 s9, $0xF7A;
	s5 =	simm.s32 @!p2 $0x0  }
0x1d: {  	s5 =	simm.s32 @p1 $0x1;
	p0 =	seq.s32 s7, s2  }
0x1e: {  	s7 =	smul.u32 @!p0 $0xF7A, s2;
	p2 =	seq.s32 @!p0 s5, $0x0  }
0x1f: {  	s9 =	smul.u32 $0xF7A, s1;
	s8 =	simm.s32 @!p0 $0x1BF5;
	p2 =	por !p2, p0  }
0x20: {  	[sflag:s8] =	ssyncset.s32 @!p0 $0xFFFFF086;
	s6 =	sadd.s32 @!p0 s3, s7;
	s7 =	simm.s32 @!p0 $0x108  }
0x21: {  	s3 =	sadd.s32 s3, s9;
	s6 =	sadd.s32 @!p0 $0x88, s6;
	s7 =	simm.s32 @p2 $0x1082  }
0x22: {  	[simem:s7], [sflag:s8] =	dma.local @!p0 [hbm:s6], $0xF7A  }
0x23: {  	s9 =	sor.u32 $0xD0000000, s2;
	s6 =	simm.s32 $0x108;
	_ =	swait.ge @!p0 [sflag:s8], $0x0  }
0x24: {  	s3 =	sadd.s32 $0x88, s3;
	s6 =	simm.s32 @!p1 $0x1082;
	[sflag:s4] =	ssyncset.s32 $0xFFFFF086  }
0x25: {  	[simem:s6], [sflag:s4] =	dma.local [hbm:s3], $0xF7A  }
0x26: {  	[smem:$0x3F9D] =	sst s1;
	(tag) =	ssettag s2;
	_ =	strace s9  }
0x27: {  	s1 =	sld [smem:$0x3FAD]  }
0x28: {  	s2 =	sld [smem:$0x3FAE]  }
0x29: {  	s4 =	sld [smem:$0x3FB0]  }
0x2a: {  	p0 =	seq.s32 s5, $0x0;
	s5 =	sld [smem:$0x3FB1]  }
0x2b: {  	s6 =	sld [smem:$0x3FB2]  }
0x2c: {  	s7 =	sld [smem:$0x3FB3]  }
0x2d: {  	s3 =	simm.s32 $0x108;
	s8 =	sld [smem:$0x3FB4]  }
0x2e: {  	s3 =	simm.s32 @!p0 $0x1082;
	s9 =	sld [smem:$0x3FB5]  }
0x2f: {  	lr =	sadd.s32 s0, s3;
	s0 =	sld [smem:$0x3FAC]  }
0x30: {  	s3 =	sld [smem:$0x3FAF]  }
0x31: {  	[smem:$0x3FB8] =	sst s10  }
0x32: {  	s10 =	sld [smem:$0x3FB6];
	_ =	sdelay $0x3  }
0x33: {  	p0 =	seq.s32 s10, $0x1;
	s10 =	sld [smem:$0x3FB8];
	_ =	sdelay $0x3  }
0x34: {  	[smem:$0x3FB8] =	sst s10  }
0x35: {  	s10 =	sld [smem:$0x3FB7];
	_ =	sdelay $0x3  }
0x36: {  	p1 =	seq.s32 s10, $0x1;
	s10 =	sld [smem:$0x3FB8];
	_ =	sdelay $0x3  }
0x37: {  	[smem:$0x3FB8] =	sst s10  }
0x38: {  	s10 =	sld [smem:$0x3FB9]  }
0x39: {  	_ = 	snop;
	(pc) =	sbr.ind lr, $3  }
0x3a: {  	_ = 	snop  }
0x3b: {  	_ = 	snop  }
0x3c: {  	p2 =	seq.s32 s10, $0x1;
	s10 =	sld [smem:$0x3FB8]  }
0x3d: {  	_ =	shalt  }
0x3e: {  	_ =	shalt  }
0x3f: {  	_ =	shalt  }
0x40: {  	_ =	shalt  }
0x41: {  	_ =	shalt  }
0x42: {  	_ =	shalt  }
0x43: {  	_ =	shalt  }
0x44: {  	_ =	shalt  }
0x45: {  	_ =	shalt  }
0x46: {  	_ =	shalt  }
0x47: {  	_ =	shalt  }
0x48: {  	_ =	shalt  }
0x49: {  	_ =	shalt  }
0x4a: {  	_ =	shalt  }
0x4b: {  	_ =	shalt  }
0x4c: {  	_ =	shalt  }
0x4d: {  	_ =	shalt  }
0x4e: {  	_ =	shalt  }
0x4f: {  	_ =	shalt  }
0x50: {  	_ =	shalt  }
0x51: {  	_ =	shalt  }
0x52: {  	_ =	shalt  }
0x53: {  	_ =	shalt  }
0x54: {  	_ =	shalt  }
0x55: {  	_ =	shalt  }
0x56: {  	_ =	shalt  }
0x57: {  	_ =	shalt  }
0x58: {  	_ =	shalt  }
0x59: {  	_ =	shalt  }
0x5a: {  	_ =	shalt  }
0x5b: {  	_ =	shalt  }
0x5c: {  	_ =	shalt  }
0x5d: {  	_ =	shalt  }
0x5e: {  	_ =	shalt  }
0x5f: {  	_ =	shalt  }
0x60: {  	_ =	shalt  }
0x61: {  	_ =	shalt  }
0x62: {  	_ =	shalt  }
0x63: {  	_ =	shalt  }
0x64: {  	_ =	shalt  }
0x65: {  	_ =	shalt  }
0x66: {  	_ =	shalt  }
0x67: {  	_ =	shalt  }
0x68: {  	_ =	shalt  }
0x69: {  	_ =	shalt  }
0x6a: {  	_ =	shalt  }
0x6b: {  	_ =	shalt  }
0x6c: {  	_ =	shalt  }
0x6d: {  	_ =	shalt  }
0x6e: {  	_ =	shalt  }
0x6f: {  	_ =	shalt  }
0x70: {  	_ =	shalt  }
0x71: {  	_ =	shalt  }
0x72: {  	_ =	shalt  }
0x73: {  	_ =	shalt  }
0x74: {  	_ =	shalt  }
0x75: {  	_ =	shalt  }
0x76: {  	_ =	shalt  }
0x77: {  	_ =	shalt  }
0x78: {  	_ =	shalt  }
0x79: {  	_ =	shalt  }
0x7a: {  	_ =	shalt  }
0x7b: {  	_ =	shalt  }
0x7c: {  	_ =	shalt  }
0x7d: {  	_ =	shalt  }
0x7e: {  	_ =	shalt  }
0x7f: {  	_ =	shalt  }
0x80: {  	_ =	shalt  }
0x81: {  	_ =	shalt  }
0x82: {  	_ =	shalt  }
0x83: {  	_ =	shalt  }
0x84: {  	_ =	shalt  }
0x85: {  	_ =	shalt  }
0x86: {  	_ =	shalt  }
0x87: {  	_ =	shalt  }
.Lfunc_end0:
.L_simem_size_0:
called_computation_lowered:
.L_overlay_start_0:
0x88: {  	s2 =	sld [smem:$0x3FD9]  }
0x89: {  	s3 =	sld [smem:$0x3FFE];
	_ =	sdelay $0x1  }
0x8a: {  	s1 =	srdreg.scid  }
0x8b: {  	s0 =	sand.u32 $0x1, s1  }
0x8c: {  	s17 =	sshll.u32 s0, $0xA;
	s2 =	sadd.s32 s3, s2  }
0x8d: {  	s2 =	sadd.s32 s2, s17  }
0x8e: {  	[smem:$0x3FC4] =	sst s2  }
0x8f: {  	_ = 	snop  }
0x90: {  	s2 =	sld [smem:$0x3FD0];
	(tm) =	ssettm $0x1  }
0x91: {  	s18 =	sld [smem:$0x3FFB];
	_ =	sdelay $0x3  }
0x92: {  	_ =	strace s18  }
0x93: {  	s3 =	sld [smem:$0x3FFC];
	_ =	sdelay $0x3  }
0x94: {  	_ =	strace s3  }
0x95: {  	s3 =	sld [smem:$0x3FFD];
	_ =	sdelay $0x3  }
0x96: {  	_ =	strace s3  }
0x97: {  	_ =	strace $0x8FFFFFFF  }
0x98: {  	s19 =	sld [smem:$0x3FDB];
	_ =	sdelay $0x1  }
0x99: {  	s4 =	simm.s32 $_scs_section_size  }
0x9a: {  	s5 =	simm.s32 $_size__tile_overlayer_lowered;
	s6 =	simm.s32 $_tile_overlayer_lowered  }
0x9b: {  	s22 =	simm.s32 $0x1BFF;
	s21 =	sshll.u32 s6, $0x1;
	s3 =	sadd.s32 s4, s19  }
0x9c: {  	s7 =	simm.s32 $0x0;
	s20 =	sshll.u32 s5, $0x1;
	s5 =	sadd.s32 s21, s3  }
0x9d: {  	[timem:s7], [sflag:s22] =	dma.local [hbm:s5], s20  }
0x9e: {  	_ =	swait.ge [sflag:s22], s20  }
0x9f: {  	s4 =	ssub.s32 $0x0, s20;
	[sflag:s22] =	ssyncset.done $0x0  }
0xa0: {  	[sflag:s22] =	ssyncadd.s32 s4;
	_ =	sdelay $0x1  }
0xa1: {  	s23 =	simm.s32 $0x1B8B  }
0xa2: {  	_ =	swait.ge [sflag:s23], $0x1  }
0xa3: {  	[sflag:s23] =	ssyncset.done $0x0  }
0xa4: {  	s25 =	simm.s32 $0x1B8E;
	s24 =	sld [smem:$0x3FFE];
	[sflag:s23] =	ssyncadd.s32 $0xFFFFFFFF  }
0xa5: {  	s26 =	simm.s32 $execute0_lowered;
	[smem:$0x3FD2] =	sst s25  }
0xa6: {  	s5 =	sshll.u32 s26, $0x1;
	_ =	strace $0x80000046;
	[dreg:$0x1] =	wrdreg $0xFFFFFFFF  }
0xa7: {  	s28 =	simm.s32 $_size_execute0_lowered;
	s3 =	sadd.s32 s3, s5;
	[dreg:$0x0] =	wrdreg $0x0  }
0xa8: {  	s5 =	sshll.u32 s28, $0x1;
	[dreg:$0x2] =	wrdreg s3  }
0xa9: {  	[dreg:$0x3] =	wrdreg s5  }
0xaa: {  	[dreg:$0x4] =	wrdreg $0xC0  }
0xab: {  	_ =	task [dreg:s7], $0x5FFFF  }
0xac: {  	[dreg:$0x1] =	wrdreg $0xFFFFFFFF  }
0xad: {  	[dreg:$0x0] =	wrdreg $0x60  }
0xae: {  	[dreg:$0x2] =	wrdreg s2  }
0xaf: {  	[dreg:$0x3] =	wrdreg s24  }
0xb0: {  	[dreg:$0x4] =	wrdreg $0x9  }
0xb1: {  	_ =	task.clear_ibuf [dreg:s7], $0x5FFFF;
	_ =	strace $0x90000046  }
0xb2: {  	s29 =	simm.s32 $0x9;
	_ =	strace $0x80000048  }
0xb3: {  	_ =	swait.ge [sflag:s29], $0x1  }
0xb4: {  	[sflag:s29] =	ssyncadd.s32 $0xFFFFFFFF  }
0xb5: {  	_ =	strace $0x90000048  }
0xb6: {  	_ =	sfence  }
0xb7: {  	s30 =	sld [smem:$0x0];
	_ =	sdelay $0x2  }
0xb8: {  	s31 =	sshll.u32 s1, $0xD;
	s1 =	sshrl.u32 s1, $0x2  }
0xb9: {  	s3 =	sand.u32 $0x4000, s31;
	s1 =	sadd.s32 s1, s30  }
0xba: {  	s0 =	sor.u32 s3, s0;
	s1 =	sshll.u32 s1, $0x11  }
0xbb: {  	s0 =	sor.u32 s1, s0  }
0xbc: {  	s0 =	sadd.s32 $0x8F2B, s0  }
0xbd: {  	[sflag:s0] =	ssyncadd.remote.s32 $0x1  }
0xbe: {  	_ =	sfence.sel $0xFFFF  }
0xbf: {  	[dreg:$0x0] =	wrdreg $0xFFFFFFFF;
	(pc) =	sbr.abs _section_cstart, $3  }
0xc0: {  	[dreg:$0x1] =	wrdreg $0xFFFFFFFF  }
0xc1: {  	_ =	task.clear_ibuf [dreg:s7], $0x2FFFF;
	_ =	strace $0x9FFFFFFF  }
0xc2: {  	(tm) =	ssettm $0x7FFFFFFF  }
0xc3: {  	_ =	shalt  }
tec
execute0_lowered:
.L_overlay_start_1:
0x0: {  	(tag) =	ssettag $0x1  }
0x1: {  	s1 =	rddreg [dreg:$0x0]  }
0x2: {  	s5 =	rddreg [dreg:$0x1]  }
0x3: {  	s0 =	rddreg [dreg:$0x2];
	s3 =	simm.s32 $0x0;
	s4 =	srdreg.scid  }
0x4: {  	s2 =	stileid.u32;
	s11 =	simm.s32 $0xC80;
	s12 =	simm.s32 $0x4  }
0x5: {  	s13 =	simm.s32 $0xD480;
	s14 =	simm.s32 $0x1;
	s15 =	simm.s32 $0x19C80  }
0x6: {  	s16 =	simm.s32 $0x2;
	s17 =	simm.s32 $0x0;
	[smem:$0x7FF] =	sst s3  }
0x7: {  	s6 =	sand.u32 $0x1, s4;
	s7 =	sshll.u32 s2, $0x1;
	s4 =	sadd.s32 $0xF42E00, s5  }
.Ltmp0:
0x8: {  	s7 =	sor.u32 s6, s7;
	s6 =	ssub.s32 $0x2, s6;
	(pc) =	sbr.rel .LBB2_1-.Ltmp0, $4  }
0x9: {  	s8 =	sshll.u32 s7, $0xB;
	s9 =	sshrl.u32 s6, $0x1;
	s10 =	smul.u32 $0xC80, s7  }
0xa: {  	_ =	strace $0x80000047;
	s8 =	sadd.s32 s8, s5;
	s9 =	ssub.s32 s6, s9  }
0xb: {  	s5 =	sshll.u32 s7, $0x9;
	s6 =	sadd.s32 s1, s10;
	s7 =	sadd.s32 $0xA00, s8  }
0xc: {  	s8 =	smax.u32 s9, $0x1;
	s9 =	simm.s32 $0x3;
	s10 =	simm.s32 $0x640  }
.LBB2_11:
0xd: {  	s17 =	sadd.s32 $0x1, s17  }
0xe: {  	p0 =	sne.s32 s17, s8  }
.Ltmp1:
0xf: {  	_ = 	snop;
	(pc) =	sbr.rel @!p0 .LBB2_12-.Ltmp1, $1  }
0x10: {  	_ =	sdelay $0x3  }
.LBB2_1:
0x11: {  	[tilespmem:s3], [sflag:$0x3] =	stream.linear.gather [hbm4b:s6+s3], $0x640, $0x38;
	[tilespmem:$0x1A080] =	vst v63  }
.Ltmp2:
0x12: {  	_ = 	snop;
	(pc) =	sbr.rel .LBB2_2-.Ltmp2, $4  }
0x13: {  	_ =	swait.ge [sflag:s9], $0x640  }
0x14: {  	[sflag:s9] =	ssyncset.done $0x0  }
0x15: {  	s19 =	simm.s32 $0x0;
	[sflag:s9] =	ssyncadd.s32 $0xFFFFF9C0  }
0x16: {  	[tilespmem:s11], [sflag:$0x1] =	stream.indirect.gather [hbm4b:s4+s10], $0x20, s3, s10, $0xb8;
	[tilespmem:$0x1A080] =	vst v63  }
.LBB2_10:
0x17: {  	p0 =	sne.s32 s18, $0x10  }
.Ltmp3:
0x18: {  	_ = 	snop;
	(pc) =	sbr.rel @!p0 .LBB2_11-.Ltmp3, $2  }
0x19: {  	_ =	sdelay $0x2  }
0x1a: {  	s19 =	smov.u32 s18  }
.LBB2_2:
0x1b: {  	s20 =	sand.u32 $0x1, s19  }
0x1c: {  	p1 =	seq.s32 s19, $0xF;
	p0 =	seq.s32 s20, $0x1  }
0x1d: {  	s18 =	sadd.s32 $0x1, s19;
	p1 =	por !p0, p1  }
0x1e: {  	s21 =	sshll.u32 @!p1 s18, $0x5  }
0x1f: {  	s21 =	sadd.s32 @!p1 s5, s21  }
0x20: {  	s21 =	smul.u32 @!p1 $0x32, s21;
	_ =	sdelay $0x1  }
0x21: {  	s21 =	sshrl.u32 @!p1 s21, $0x3  }
0x22: {  	s22 =	simm.s32 @!p1 $0x0;
	s21 =	sadd.s32 @!p1 s1, s21  }
0x23: {  	[tilespmem:s22], [sflag:$0x4] =	stream.linear.gather @!p1 [hbm4b:s21+s22], $0x640, $0x38;
	[tilespmem:$0x1A080] =	vst v63  }
0x24: {  	s21 =	simm.s32 @!p1 $0x4  }
0x25: {  	_ =	swait.ge @!p1 [sflag:s21], $0x640  }
0x26: {  	[sflag:s21] =	ssyncset.done @!p1 $0x0  }
0x27: {  	s23 =	simm.s32 @!p1 $0xC80;
	[sflag:s21] =	ssyncadd.s32 @!p1 $0xFFFFF9C0;
	s21 =	simm.s32 @!p1 $0x640  }
0x28: {  	[tilespmem:s23], [sflag:$0x1] =	stream.indirect.gather @!p1 [hbm4b:s4+s21], $0x20, s22, s21, $0xb8;
	[tilespmem:$0x1A080] =	vst v63  }
0x29: {  	p1 =	sne.s32 s20, $0x0  }
.Ltmp4:
0x2a: {  	_ = 	snop;
	(pc) =	sbr.rel @p1 .LBB2_6-.Ltmp4, $1  }
0x2b: {  	_ =	sdelay $0x3  }
0x2c: {  	s20 =	sshll.u32 s18, $0x5  }
0x2d: {  	s20 =	sadd.s32 s5, s20  }
0x2e: {  	s20 =	smul.u32 $0x32, s20;
	_ =	sdelay $0x1  }
0x2f: {  	s20 =	sshrl.u32 s20, $0x3  }
0x30: {  	s21 =	simm.s32 $0x0;
	s20 =	sadd.s32 s1, s20  }
0x31: {  	[tilespmem:s10], [sflag:$0x4] =	stream.linear.gather [hbm4b:s20+s21], $0x640, $0x38;
	[tilespmem:$0x1A080] =	vst v63  }
0x32: {  	_ =	swait.ge [sflag:s12], $0x640  }
0x33: {  	[sflag:s12] =	ssyncset.done $0x0  }
0x34: {  	[sflag:s12] =	ssyncadd.s32 $0xFFFFF9C0  }
0x35: {  	[tilespmem:s13], [sflag:$0x2] =	stream.indirect.gather [hbm4b:s4+s10], $0x20, s10, s10, $0xb8;
	[tilespmem:$0x1A080] =	vst v63  }
0x36: {  	_ =	swait.ge [sflag:s14], $0xC800  }
0x37: {  	[sflag:s14] =	ssyncset.done $0x0  }
0x38: {  	s20 =	simm.s32 $0xFA0;
	[sflag:s14] =	ssyncadd.s32 $0xFFFF3800  }
0x39: {  	v0 =	vld [tilespmem:s20+$0xFFFFFD40]  }
0x3a: {  	v1 =	vld [tilespmem:s20+$0xFFFFFCE0]  }
0x3b: {  	v2 =	vld [tilespmem:s20+$0xFFFFFD20]  }
0x3c: {  	v3 =	vld [tilespmem:s20+$0xFFFFFD00]  }
0x3d: {  	v4 =	vld [tilespmem:s20+$0xFFFFFD60]  }
0x3e: {  	v5 =	vld [tilespmem:s20+$0xFFFFFD80]  }
0x3f: {  	v6 =	vld [tilespmem:s20+$0xFFFFFDA0]  }
0x40: {  	v7 =	vld [tilespmem:s20+$0xFFFFFDC0]  }
0x41: {  	v1 =	vadd.f32 v2, v1;
	v0 =	vadd.f32 v0, v3;
	v2 =	vld [tilespmem:s20+$0xFFFFFDE0]  }
0x42: {  	v3 =	vld [tilespmem:s20+$0xFFFFFE00]  }
0x43: {  	v60 =	vld [tilespmem:s20+$0xFFFFFE20];
	v1 =	vadd.f32 v4, v1;
	v0 =	vadd.f32 v5, v0  }
0x44: {  	v61 =	vld [tilespmem:s20+$0xFFFFFE40]  }
0x45: {  	v62 =	vld [tilespmem:s20+$0xFFFFFE60];
	v1 =	vadd.f32 v6, v1;
	v0 =	vadd.f32 v7, v0  }
0x46: {  	v63 =	vld [tilespmem:s20+$0xFFFFFE80]  }
0x47: {  	v1 =	vadd.f32 v2, v1;
	v0 =	vadd.f32 v3, v0;
	v2 =	vld [tilespmem:s20+$0xFFFFFEA0]  }
0x48: {  	v3 =	vld [tilespmem:s20+$0xFFFFFEC0]  }
0x49: {  	v9 =	vld [tilespmem:s20+$0xFFFFFEE0];
	v1 =	vadd.f32 v60, v1;
	v0 =	vadd.f32 v61, v0  }
0x4a: {  	v10 =	vld [tilespmem:s20+$0xFFFFFF00]  }
0x4b: {  	v11 =	vld [tilespmem:s20+$0xFFFFFF20];
	v1 =	vadd.f32 v62, v1;
	v0 =	vadd.f32 v63, v0  }
0x4c: {  	v12 =	vld [tilespmem:s20+$0xFFFFFF40]  }
0x4d: {  	v1 =	vadd.f32 v2, v1;
	v0 =	vadd.f32 v3, v0;
	v2 =	vld [tilespmem:s20+$0xFFFFFF60]  }
0x4e: {  	v3 =	vld [tilespmem:s20+$0xFFFFFF80]  }
0x4f: {  	v13 =	vld [tilespmem:s20+$0xFFFFFFA0];
	v1 =	vadd.f32 v9, v1;
	v0 =	vadd.f32 v10, v0  }
0x50: {  	v14 =	vld [tilespmem:s20+$0xFFFFFFC0]  }
0x51: {  	v15 =	vld [tilespmem:s20+$0xFFFFFFE0];
	v1 =	vadd.f32 v11, v1;
	v0 =	vadd.f32 v12, v0  }
0x52: {  	v16 =	vld [tilespmem:s20+$0x0]  }
0x53: {  	v1 =	vadd.f32 v2, v1;
	v0 =	vadd.f32 v3, v0;
	v2 =	vld [tilespmem:s20+$0x20]  }
0x54: {  	v3 =	vld [tilespmem:s20+$0x40]  }
0x55: {  	v17 =	vld [tilespmem:s20+$0x60];
	v1 =	vadd.f32 v13, v1;
	v0 =	vadd.f32 v14, v0  }
0x56: {  	v18 =	vld [tilespmem:s20+$0x80]  }
0x57: {  	v19 =	vld [tilespmem:s20+$0xA0];
	v1 =	vadd.f32 v15, v1;
	v0 =	vadd.f32 v16, v0  }
0x58: {  	v20 =	vld [tilespmem:s20+$0xC0]  }
0x59: {  	v1 =	vadd.f32 v2, v1;
	v0 =	vadd.f32 v3, v0;
	v2 =	vld [tilespmem:s20+$0xE0]  }
0x5a: {  	v3 =	vld [tilespmem:s20+$0x100]  }
0x5b: {  	v21 =	vld [tilespmem:s20+$0x120];
	v1 =	vadd.f32 v17, v1;
	v0 =	vadd.f32 v18, v0  }
0x5c: {  	v22 =	vld [tilespmem:s20+$0x140]  }
0x5d: {  	v23 =	vld [tilespmem:s20+$0x160];
	v1 =	vadd.f32 v19, v1;
	v0 =	vadd.f32 v20, v0  }
0x5e: {  	v24 =	vld [tilespmem:s20+$0x180]  }
0x5f: {  	v1 =	vadd.f32 v2, v1;
	v0 =	vadd.f32 v3, v0;
	v2 =	vld [tilespmem:s20+$0x1A0]  }
0x60: {  	v3 =	vld [tilespmem:s20+$0x1C0]  }
0x61: {  	v25 =	vld [tilespmem:s20+$0x1E0];
	v1 =	vadd.f32 v21, v1;
	v0 =	vadd.f32 v22, v0  }
0x62: {  	v26 =	vld [tilespmem:s20+$0x200]  }
0x63: {  	v27 =	vld [tilespmem:s20+$0x220];
	v1 =	vadd.f32 v23, v1;
	v0 =	vadd.f32 v24, v0  }
0x64: {  	v28 =	vld [tilespmem:s20+$0x240]  }
0x65: {  	v1 =	vadd.f32 v2, v1;
	v0 =	vadd.f32 v3, v0;
	v2 =	vld [tilespmem:s20+$0x260]  }
0x66: {  	v3 =	vld [tilespmem:s20+$0x280]  }
0x67: {  	v29 =	vld [tilespmem:s20+$0x2A0];
	v1 =	vadd.f32 v25, v1;
	v0 =	vadd.f32 v26, v0  }
0x68: {  	v30 =	vld [tilespmem:s20+$0x2C0]  }
0x69: {  	v31 =	vld [tilespmem:s20+$0x300];
	v1 =	vadd.f32 v27, v1;
	v0 =	vadd.f32 v28, v0  }
0x6a: {  	v32 =	vld [tilespmem:s20+$0x2E0]  }
0x6b: {  	v1 =	vadd.f32 v2, v1;
	v0 =	vadd.f32 v3, v0;
	_ =	sdelay $0x1  }
0x6c: {  	v1 =	vadd.f32 v29, v1;
	v0 =	vadd.f32 v30, v0;
	_ =	sdelay $0x1  }
0x6d: {  	v1 =	vadd.f32 v32, v1;
	v0 =	vadd.f32 v31, v0;
	_ =	sdelay $0x1  }
0x6e: {  	v0 =	vadd.f32 v0, v1  }
0x6f: {  	s22 =	simm.s32 $0x0  }
0x70: {  	[tilespmem:s22+$0x19C80] =	vst v0  }
0x71: {  	v0 =	vld [tilespmem:s20+$0xFFFFFCF0]  }
0x72: {  	v1 =	vld [tilespmem:s20+$0xFFFFFD10]  }
0x73: {  	v2 =	vld [tilespmem:s20+$0xFFFFFD50]  }
0x74: {  	v33 =	vld [tilespmem:s20+$0xFFFFFD30]  }
0x75: {  	v3 =	vld [tilespmem:s20+$0xFFFFFD90]  }
0x76: {  	v35 =	vld [tilespmem:s20+$0xFFFFFD70]  }
0x77: {  	v34 =	vld [tilespmem:s20+$0xFFFFFDD0]  }
0x78: {  	v36 =	vld [tilespmem:s20+$0xFFFFFDB0];
	v1 =	vadd.f32 v2, v1  }
0x79: {  	v2 =	vld [tilespmem:s20+$0xFFFFFE10];
	v0 =	vadd.f32 v33, v0  }
0x7a: {  	v37 =	vld [tilespmem:s20+$0xFFFFFDF0];
	v1 =	vadd.f32 v3, v1  }
0x7b: {  	v3 =	vld [tilespmem:s20+$0xFFFFFE50];
	v0 =	vadd.f32 v35, v0  }
0x7c: {  	v39 =	vld [tilespmem:s20+$0xFFFFFE30];
	v1 =	vadd.f32 v34, v1  }
0x7d: {  	v38 =	vld [tilespmem:s20+$0xFFFFFE90];
	v0 =	vadd.f32 v36, v0  }
0x7e: {  	v40 =	vld [tilespmem:s20+$0xFFFFFE70];
	v1 =	vadd.f32 v2, v1  }
0x7f: {  	v2 =	vld [tilespmem:s20+$0xFFFFFED0];
	v0 =	vadd.f32 v37, v0  }
0x80: {  	v41 =	vld [tilespmem:s20+$0xFFFFFEB0];
	v1 =	vadd.f32 v3, v1  }
0x81: {  	v3 =	vld [tilespmem:s20+$0xFFFFFF10];
	v0 =	vadd.f32 v39, v0  }
0x82: {  	v43 =	vld [tilespmem:s20+$0xFFFFFEF0];
	v1 =	vadd.f32 v38, v1  }
0x83: {  	v42 =	vld [tilespmem:s20+$0xFFFFFF50];
	v0 =	vadd.f32 v40, v0  }
0x84: {  	v44 =	vld [tilespmem:s20+$0xFFFFFF30];
	v1 =	vadd.f32 v2, v1  }
0x85: {  	v2 =	vld [tilespmem:s20+$0xFFFFFF90];
	v0 =	vadd.f32 v41, v0  }
0x86: {  	v45 =	vld [tilespmem:s20+$0xFFFFFF70];
	v1 =	vadd.f32 v3, v1  }
0x87: {  	v3 =	vld [tilespmem:s20+$0xFFFFFFD0];
	v0 =	vadd.f32 v43, v0  }
0x88: {  	v47 =	vld [tilespmem:s20+$0xFFFFFFB0];
	v1 =	vadd.f32 v42, v1  }
0x89: {  	v46 =	vld [tilespmem:s20+$0x10];
	v0 =	vadd.f32 v44, v0  }
0x8a: {  	v48 =	vld [tilespmem:s20+$0xFFFFFFF0];
	v1 =	vadd.f32 v2, v1  }
0x8b: {  	v2 =	vld [tilespmem:s20+$0x50];
	v0 =	vadd.f32 v45, v0  }
0x8c: {  	v49 =	vld [tilespmem:s20+$0x30];
	v1 =	vadd.f32 v3, v1  }
0x8d: {  	v3 =	vld [tilespmem:s20+$0x90];
	v0 =	vadd.f32 v47, v0  }
0x8e: {  	v51 =	vld [tilespmem:s20+$0x70];
	v1 =	vadd.f32 v46, v1  }
0x8f: {  	v50 =	vld [tilespmem:s20+$0xD0];
	v0 =	vadd.f32 v48, v0  }
0x90: {  	v52 =	vld [tilespmem:s20+$0xB0];
	v1 =	vadd.f32 v2, v1  }
0x91: {  	v2 =	vld [tilespmem:s20+$0x110];
	v0 =	vadd.f32 v49, v0  }
0x92: {  	v53 =	vld [tilespmem:s20+$0xF0];
	v1 =	vadd.f32 v3, v1  }
0x93: {  	v3 =	vld [tilespmem:s20+$0x150];
	v0 =	vadd.f32 v51, v0  }
0x94: {  	v55 =	vld [tilespmem:s20+$0x130];
	v1 =	vadd.f32 v50, v1  }
0x95: {  	v54 =	vld [tilespmem:s20+$0x190];
	v0 =	vadd.f32 v52, v0  }
0x96: {  	v56 =	vld [tilespmem:s20+$0x170];
	v1 =	vadd.f32 v2, v1  }
0x97: {  	v2 =	vld [tilespmem:s20+$0x1D0];
	v0 =	vadd.f32 v53, v0  }
0x98: {  	v57 =	vld [tilespmem:s20+$0x1B0];
	v1 =	vadd.f32 v3, v1  }
0x99: {  	v3 =	vld [tilespmem:s20+$0x210];
	v0 =	vadd.f32 v55, v0  }
0x9a: {  	v59 =	vld [tilespmem:s20+$0x1F0];
	v1 =	vadd.f32 v54, v1  }
0x9b: {  	v58 =	vld [tilespmem:s20+$0x250];
	v0 =	vadd.f32 v56, v0  }
0x9c: {  	v60 =	vld [tilespmem:s20+$0x230];
	v1 =	vadd.f32 v2, v1  }
0x9d: {  	v2 =	vld [tilespmem:s20+$0x290];
	v0 =	vadd.f32 v57, v0  }
0x9e: {  	v61 =	vld [tilespmem:s20+$0x270];
	v1 =	vadd.f32 v3, v1  }
0x9f: {  	v3 =	vld [tilespmem:s20+$0x2D0];
	v0 =	vadd.f32 v59, v0  }
0xa0: {  	v62 =	vld [tilespmem:s20+$0x310];
	v1 =	vadd.f32 v58, v1  }
0xa1: {  	v63 =	vld [tilespmem:s20+$0x2B0];
	v0 =	vadd.f32 v60, v0  }
0xa2: {  	v1 =	vadd.f32 v2, v1  }
0xa3: {  	v2 =	vadd.f32 v61, v0;
	v0 =	vld [tilespmem:s20+$0x2F0]  }
0xa4: {  	v1 =	vadd.f32 v3, v1;
	_ =	sdelay $0x1  }
0xa5: {  	s21 =	simm.s32 $0x80;
	v2 =	vadd.f32 v63, v2;
	v1 =	vadd.f32 v62, v1  }
.LBB2_4:
0xa6: {  	p1 =	sne.s32 s21, $0xF80  }
0xa7: {  	s20 =	sadd.s32 $0x640, s20;
	s23 =	smov.u32 s21;
	s21 =	sadd.s32 $0x80, s21;
	v0 =	vadd.f32 v0, v2  }
0xa8: {  	_ = 	snop  }
0xa9: {  	v0 =	vadd.f32 v1, v0;
	_ =	sdelay $0x1  }
0xaa: {  	[tilespmem:s22+$0x19C90] =	vst v0  }
0xab: {  	v0 =	vld [tilespmem:s20+$0xFFFFFD40]  }
0xac: {  	v1 =	vld [tilespmem:s20+$0xFFFFFCE0]  }
0xad: {  	v2 =	vld [tilespmem:s20+$0xFFFFFD20]  }
0xae: {  	v3 =	vld [tilespmem:s20+$0xFFFFFD00]  }
0xaf: {  	v4 =	vld [tilespmem:s20+$0xFFFFFD60]  }
0xb0: {  	v5 =	vld [tilespmem:s20+$0xFFFFFD80]  }
0xb1: {  	v6 =	vld [tilespmem:s20+$0xFFFFFDA0]  }
0xb2: {  	v1 =	vadd.f32 v2, v1;
	v2 =	vld [tilespmem:s20+$0xFFFFFDC0]  }
0xb3: {  	v0 =	vadd.f32 v0, v3;
	v3 =	vld [tilespmem:s20+$0xFFFFFDE0]  }
0xb4: {  	v1 =	vadd.f32 v4, v1;
	v4 =	vld [tilespmem:s20+$0xFFFFFE00]  }
0xb5: {  	v0 =	vadd.f32 v5, v0;
	v5 =	vld [tilespmem:s20+$0xFFFFFE20]  }
0xb6: {  	v1 =	vadd.f32 v6, v1;
	v6 =	vld [tilespmem:s20+$0xFFFFFE40]  }
0xb7: {  	v0 =	vadd.f32 v2, v0;
	v2 =	vld [tilespmem:s20+$0xFFFFFE60]  }
0xb8: {  	v1 =	vadd.f32 v3, v1;
	v3 =	vld [tilespmem:s20+$0xFFFFFE80]  }
0xb9: {  	v0 =	vadd.f32 v4, v0;
	v4 =	vld [tilespmem:s20+$0xFFFFFEA0]  }
0xba: {  	v1 =	vadd.f32 v5, v1;
	v5 =	vld [tilespmem:s20+$0xFFFFFEC0]  }
0xbb: {  	v0 =	vadd.f32 v6, v0;
	v6 =	vld [tilespmem:s20+$0xFFFFFEE0]  }
0xbc: {  	v1 =	vadd.f32 v2, v1;
	v2 =	vld [tilespmem:s20+$0xFFFFFF00]  }
0xbd: {  	v0 =	vadd.f32 v3, v0;
	v3 =	vld [tilespmem:s20+$0xFFFFFF20]  }
0xbe: {  	v1 =	vadd.f32 v4, v1;
	v4 =	vld [tilespmem:s20+$0xFFFFFF40]  }
0xbf: {  	v0 =	vadd.f32 v5, v0;
	v5 =	vld [tilespmem:s20+$0xFFFFFF60]  }
0xc0: {  	v1 =	vadd.f32 v6, v1;
	v6 =	vld [tilespmem:s20+$0xFFFFFF80]  }
0xc1: {  	v0 =	vadd.f32 v2, v0;
	v2 =	vld [tilespmem:s20+$0xFFFFFFA0]  }
0xc2: {  	v1 =	vadd.f32 v3, v1;
	v3 =	vld [tilespmem:s20+$0xFFFFFFC0]  }
0xc3: {  	v0 =	vadd.f32 v4, v0;
	v4 =	vld [tilespmem:s20+$0xFFFFFFE0]  }
0xc4: {  	v1 =	vadd.f32 v5, v1;
	v5 =	vld [tilespmem:s20+$0x0]  }
0xc5: {  	v0 =	vadd.f32 v6, v0;
	v6 =	vld [tilespmem:s20+$0x20]  }
0xc6: {  	v1 =	vadd.f32 v2, v1;
	v2 =	vld [tilespmem:s20+$0x40]  }
0xc7: {  	v0 =	vadd.f32 v3, v0;
	v3 =	vld [tilespmem:s20+$0x60]  }
0xc8: {  	v1 =	vadd.f32 v4, v1;
	v4 =	vld [tilespmem:s20+$0x80]  }
0xc9: {  	v0 =	vadd.f32 v5, v0;
	v5 =	vld [tilespmem:s20+$0xA0]  }
0xca: {  	v1 =	vadd.f32 v6, v1;
	v6 =	vld [tilespmem:s20+$0xC0]  }
0xcb: {  	v0 =	vadd.f32 v2, v0;
	v2 =	vld [tilespmem:s20+$0xE0]  }
0xcc: {  	v1 =	vadd.f32 v3, v1;
	v3 =	vld [tilespmem:s20+$0x100]  }
0xcd: {  	v0 =	vadd.f32 v4, v0;
	v4 =	vld [tilespmem:s20+$0x120]  }
0xce: {  	v1 =	vadd.f32 v5, v1;
	v5 =	vld [tilespmem:s20+$0x140]  }
0xcf: {  	v0 =	vadd.f32 v6, v0;
	v6 =	vld [tilespmem:s20+$0x160]  }
0xd0: {  	v1 =	vadd.f32 v2, v1;
	v2 =	vld [tilespmem:s20+$0x180]  }
0xd1: {  	v0 =	vadd.f32 v3, v0;
	v3 =	vld [tilespmem:s20+$0x1A0]  }
0xd2: {  	v1 =	vadd.f32 v4, v1;
	v4 =	vld [tilespmem:s20+$0x1C0]  }
0xd3: {  	v0 =	vadd.f32 v5, v0;
	v5 =	vld [tilespmem:s20+$0x1E0]  }
0xd4: {  	v1 =	vadd.f32 v6, v1;
	v6 =	vld [tilespmem:s20+$0x200]  }
0xd5: {  	v0 =	vadd.f32 v2, v0;
	v2 =	vld [tilespmem:s20+$0x220]  }
0xd6: {  	v1 =	vadd.f32 v3, v1;
	v3 =	vld [tilespmem:s20+$0x240]  }
0xd7: {  	v0 =	vadd.f32 v4, v0;
	v4 =	vld [tilespmem:s20+$0x260]  }
0xd8: {  	v1 =	vadd.f32 v5, v1;
	v5 =	vld [tilespmem:s20+$0x280]  }
0xd9: {  	v0 =	vadd.f32 v6, v0;
	v6 =	vld [tilespmem:s20+$0x2A0]  }
0xda: {  	v1 =	vadd.f32 v2, v1;
	v2 =	vld [tilespmem:s20+$0x2C0]  }
0xdb: {  	v0 =	vadd.f32 v3, v0;
	v3 =	vld [tilespmem:s20+$0x300]  }
0xdc: {  	v1 =	vadd.f32 v4, v1;
	v4 =	vld [tilespmem:s20+$0x2E0]  }
0xdd: {  	v0 =	vadd.f32 v5, v0  }
0xde: {  	v1 =	vadd.f32 v6, v1  }
0xdf: {  	v0 =	vadd.f32 v2, v0;
	_ =	sdelay $0x1  }
0xe0: {  	v1 =	vadd.f32 v4, v1;
	v0 =	vadd.f32 v3, v0;
	_ =	sdelay $0x1  }
0xe1: {  	v0 =	vadd.f32 v0, v1  }
0xe2: {  	s22 =	sshra.s32 s23, $0x2  }
0xe3: {  	[tilespmem:s22+$0x19C80] =	vst v0  }
0xe4: {  	v0 =	vld [tilespmem:s20+$0xFFFFFCF0]  }
0xe5: {  	v1 =	vld [tilespmem:s20+$0xFFFFFD10]  }
0xe6: {  	v2 =	vld [tilespmem:s20+$0xFFFFFD50]  }
0xe7: {  	v3 =	vld [tilespmem:s20+$0xFFFFFD90]  }
0xe8: {  	v4 =	vld [tilespmem:s20+$0xFFFFFD30]  }
0xe9: {  	v5 =	vld [tilespmem:s20+$0xFFFFFDD0]  }
0xea: {  	v6 =	vld [tilespmem:s20+$0xFFFFFD70]  }
0xeb: {  	v1 =	vadd.f32 v2, v1;
	v2 =	vld [tilespmem:s20+$0xFFFFFE10]  }
0xec: {  	v7 =	vld [tilespmem:s20+$0xFFFFFDB0]  }
0xed: {  	v0 =	vadd.f32 v4, v0;
	v1 =	vadd.f32 v3, v1;
	v3 =	vld [tilespmem:s20+$0xFFFFFE50]  }
0xee: {  	v4 =	vld [tilespmem:s20+$0xFFFFFDF0]  }
0xef: {  	v0 =	vadd.f32 v6, v0;
	v1 =	vadd.f32 v5, v1;
	v5 =	vld [tilespmem:s20+$0xFFFFFE90]  }
0xf0: {  	v6 =	vld [tilespmem:s20+$0xFFFFFE30]  }
0xf1: {  	v0 =	vadd.f32 v7, v0;
	v1 =	vadd.f32 v2, v1;
	v2 =	vld [tilespmem:s20+$0xFFFFFED0]  }
0xf2: {  	v7 =	vld [tilespmem:s20+$0xFFFFFE70]  }
0xf3: {  	v0 =	vadd.f32 v4, v0;
	v1 =	vadd.f32 v3, v1;
	v3 =	vld [tilespmem:s20+$0xFFFFFF10]  }
0xf4: {  	v4 =	vld [tilespmem:s20+$0xFFFFFEB0]  }
0xf5: {  	v0 =	vadd.f32 v6, v0;
	v1 =	vadd.f32 v5, v1;
	v5 =	vld [tilespmem:s20+$0xFFFFFF50]  }
0xf6: {  	v6 =	vld [tilespmem:s20+$0xFFFFFEF0]  }
0xf7: {  	v0 =	vadd.f32 v7, v0;
	v1 =	vadd.f32 v2, v1;
	v2 =	vld [tilespmem:s20+$0xFFFFFF90]  }
0xf8: {  	v7 =	vld [tilespmem:s20+$0xFFFFFF30]  }
0xf9: {  	v0 =	vadd.f32 v4, v0;
	v1 =	vadd.f32 v3, v1;
	v3 =	vld [tilespmem:s20+$0xFFFFFFD0]  }
0xfa: {  	v4 =	vld [tilespmem:s20+$0xFFFFFF70]  }
0xfb: {  	v0 =	vadd.f32 v6, v0;
	v1 =	vadd.f32 v5, v1;
	v5 =	vld [tilespmem:s20+$0x10]  }
0xfc: {  	v6 =	vld [tilespmem:s20+$0xFFFFFFB0]  }
0xfd: {  	v0 =	vadd.f32 v7, v0;
	v1 =	vadd.f32 v2, v1;
	v2 =	vld [tilespmem:s20+$0x50]  }
0xfe: {  	v7 =	vld [tilespmem:s20+$0xFFFFFFF0]  }
0xff: {  	v0 =	vadd.f32 v4, v0;
	v1 =	vadd.f32 v3, v1;
	v3 =	vld [tilespmem:s20+$0x90]  }
0x100: {  	v4 =	vld [tilespmem:s20+$0x30]  }
0x101: {  	v0 =	vadd.f32 v6, v0;
	v1 =	vadd.f32 v5, v1;
	v5 =	vld [tilespmem:s20+$0xD0]  }
0x102: {  	v6 =	vld [tilespmem:s20+$0x70]  }
0x103: {  	v0 =	vadd.f32 v7, v0;
	v1 =	vadd.f32 v2, v1;
	v2 =	vld [tilespmem:s20+$0x110]  }
0x104: {  	v7 =	vld [tilespmem:s20+$0xB0]  }
0x105: {  	v0 =	vadd.f32 v4, v0;
	v1 =	vadd.f32 v3, v1;
	v3 =	vld [tilespmem:s20+$0x150]  }
0x106: {  	v4 =	vld [tilespmem:s20+$0xF0]  }
0x107: {  	v0 =	vadd.f32 v6, v0;
	v1 =	vadd.f32 v5, v1;
	v5 =	vld [tilespmem:s20+$0x190]  }
0x108: {  	v6 =	vld [tilespmem:s20+$0x130]  }
0x109: {  	v0 =	vadd.f32 v7, v0;
	v1 =	vadd.f32 v2, v1;
	v2 =	vld [tilespmem:s20+$0x1D0]  }
0x10a: {  	v7 =	vld [tilespmem:s20+$0x170]  }
0x10b: {  	v0 =	vadd.f32 v4, v0;
	v1 =	vadd.f32 v3, v1;
	v3 =	vld [tilespmem:s20+$0x210]  }
0x10c: {  	v4 =	vld [tilespmem:s20+$0x1B0]  }
0x10d: {  	v0 =	vadd.f32 v6, v0;
	v1 =	vadd.f32 v5, v1;
	v5 =	vld [tilespmem:s20+$0x250]  }
0x10e: {  	v6 =	vld [tilespmem:s20+$0x1F0]  }
0x10f: {  	v0 =	vadd.f32 v7, v0;
	v1 =	vadd.f32 v2, v1;
	v2 =	vld [tilespmem:s20+$0x290]  }
0x110: {  	v7 =	vld [tilespmem:s20+$0x230]  }
0x111: {  	v0 =	vadd.f32 v4, v0;
	v1 =	vadd.f32 v3, v1;
	v3 =	vld [tilespmem:s20+$0x2D0]  }
0x112: {  	v4 =	vld [tilespmem:s20+$0x270]  }
0x113: {  	v0 =	vadd.f32 v6, v0;
	v1 =	vadd.f32 v5, v1;
	v5 =	vld [tilespmem:s20+$0x310]  }
0x114: {  	v6 =	vld [tilespmem:s20+$0x2B0]  }
.Ltmp5:
0x115: {  	v7 =	vadd.f32 v7, v0;
	v1 =	vadd.f32 v2, v1;
	(pc) =	sbr.rel @p1 .LBB2_4-.Ltmp5, $3  }
0x116: {  	v0 =	vld [tilespmem:s20+$0x2F0]  }
0x117: {  	v2 =	vadd.f32 v4, v7;
	v1 =	vadd.f32 v3, v1;
	_ =	sdelay $0x1  }
0x118: {  	v2 =	vadd.f32 v6, v2;
	v1 =	vadd.f32 v5, v1  }
0x119: {  	_ = 	snop  }
0x11a: {  	v0 =	vadd.f32 v0, v2;
	_ =	sdelay $0x1  }
0x11b: {  	v0 =	vadd.f32 v1, v0  }
0x11c: {  	s20 =	sshll.u32 s19, $0x7  }
0x11d: {  	s20 =	sadd.s32 s20, s7;
	[tilespmem:s22+$0x19C90] =	vst v0  }
0x11e: {  	[hbm4b:s20+s3] =	stream.linear.scatter [tilespmem:s15], [sflag:$0x4], $0x400, $0x38;
	[tilespmem:$0x1A080] =	vst v63  }
0x11f: {  	_ =	swait.ge [sflag:s12], $0x400  }
0x120: {  	[sflag:s12] =	ssyncset.done $0x0  }
0x121: {  	[sflag:s12] =	ssyncadd.s32 $0xFFFFFC00  }
.LBB2_6:
.Ltmp6:
0x122: {  	(pc) =	sbr.rel @!p0 .LBB2_10-.Ltmp6, $1  }
0x123: {  	_ =	sdelay $0x3  }
0x124: {  	_ =	swait.ge [sflag:s16], $0xC800  }
0x125: {  	[sflag:s16] =	ssyncset.done $0x0  }
0x126: {  	s20 =	simm.s32 $0xD7A0;
	[sflag:s16] =	ssyncadd.s32 $0xFFFF3800  }
0x127: {  	v0 =	vld [tilespmem:s20+$0xFFFFFD40]  }
0x128: {  	v1 =	vld [tilespmem:s20+$0xFFFFFCE0]  }
0x129: {  	v2 =	vld [tilespmem:s20+$0xFFFFFD20]  }
0x12a: {  	v3 =	vld [tilespmem:s20+$0xFFFFFD00]  }
0x12b: {  	v4 =	vld [tilespmem:s20+$0xFFFFFD60]  }
0x12c: {  	v5 =	vld [tilespmem:s20+$0xFFFFFD80]  }
0x12d: {  	v6 =	vld [tilespmem:s20+$0xFFFFFDA0]  }
0x12e: {  	v7 =	vld [tilespmem:s20+$0xFFFFFDC0]  }
0x12f: {  	v1 =	vadd.f32 v2, v1;
	v0 =	vadd.f32 v0, v3;
	v2 =	vld [tilespmem:s20+$0xFFFFFDE0]  }
0x130: {  	v3 =	vld [tilespmem:s20+$0xFFFFFE00]  }
0x131: {  	v60 =	vld [tilespmem:s20+$0xFFFFFE20];
	v1 =	vadd.f32 v4, v1;
	v0 =	vadd.f32 v5, v0  }
0x132: {  	v61 =	vld [tilespmem:s20+$0xFFFFFE40]  }
0x133: {  	v62 =	vld [tilespmem:s20+$0xFFFFFE60];
	v1 =	vadd.f32 v6, v1;
	v0 =	vadd.f32 v7, v0  }
0x134: {  	v63 =	vld [tilespmem:s20+$0xFFFFFE80]  }
0x135: {  	v1 =	vadd.f32 v2, v1;
	v0 =	vadd.f32 v3, v0;
	v2 =	vld [tilespmem:s20+$0xFFFFFEA0]  }
0x136: {  	v3 =	vld [tilespmem:s20+$0xFFFFFEC0]  }
0x137: {  	v9 =	vld [tilespmem:s20+$0xFFFFFEE0];
	v1 =	vadd.f32 v60, v1;
	v0 =	vadd.f32 v61, v0  }
0x138: {  	v10 =	vld [tilespmem:s20+$0xFFFFFF00]  }
0x139: {  	v11 =	vld [tilespmem:s20+$0xFFFFFF20];
	v1 =	vadd.f32 v62, v1;
	v0 =	vadd.f32 v63, v0  }
0x13a: {  	v12 =	vld [tilespmem:s20+$0xFFFFFF40]  }
0x13b: {  	v1 =	vadd.f32 v2, v1;
	v0 =	vadd.f32 v3, v0;
	v2 =	vld [tilespmem:s20+$0xFFFFFF60]  }
0x13c: {  	v3 =	vld [tilespmem:s20+$0xFFFFFF80]  }
0x13d: {  	v13 =	vld [tilespmem:s20+$0xFFFFFFA0];
	v1 =	vadd.f32 v9, v1;
	v0 =	vadd.f32 v10, v0  }
0x13e: {  	v14 =	vld [tilespmem:s20+$0xFFFFFFC0]  }
0x13f: {  	v15 =	vld [tilespmem:s20+$0xFFFFFFE0];
	v1 =	vadd.f32 v11, v1;
	v0 =	vadd.f32 v12, v0  }
0x140: {  	v16 =	vld [tilespmem:s20+$0x0]  }
0x141: {  	v1 =	vadd.f32 v2, v1;
	v0 =	vadd.f32 v3, v0;
	v2 =	vld [tilespmem:s20+$0x20]  }
0x142: {  	v3 =	vld [tilespmem:s20+$0x40]  }
0x143: {  	v17 =	vld [tilespmem:s20+$0x60];
	v1 =	vadd.f32 v13, v1;
	v0 =	vadd.f32 v14, v0  }
0x144: {  	v18 =	vld [tilespmem:s20+$0x80]  }
0x145: {  	v19 =	vld [tilespmem:s20+$0xA0];
	v1 =	vadd.f32 v15, v1;
	v0 =	vadd.f32 v16, v0  }
0x146: {  	v20 =	vld [tilespmem:s20+$0xC0]  }
0x147: {  	v1 =	vadd.f32 v2, v1;
	v0 =	vadd.f32 v3, v0;
	v2 =	vld [tilespmem:s20+$0xE0]  }
0x148: {  	v3 =	vld [tilespmem:s20+$0x100]  }
0x149: {  	v21 =	vld [tilespmem:s20+$0x120];
	v1 =	vadd.f32 v17, v1;
	v0 =	vadd.f32 v18, v0  }
0x14a: {  	v22 =	vld [tilespmem:s20+$0x140]  }
0x14b: {  	v23 =	vld [tilespmem:s20+$0x160];
	v1 =	vadd.f32 v19, v1;
	v0 =	vadd.f32 v20, v0  }
0x14c: {  	v24 =	vld [tilespmem:s20+$0x180]  }
0x14d: {  	v1 =	vadd.f32 v2, v1;
	v0 =	vadd.f32 v3, v0;
	v2 =	vld [tilespmem:s20+$0x1A0]  }
0x14e: {  	v3 =	vld [tilespmem:s20+$0x1C0]  }
0x14f: {  	v25 =	vld [tilespmem:s20+$0x1E0];
	v1 =	vadd.f32 v21, v1;
	v0 =	vadd.f32 v22, v0  }
0x150: {  	v26 =	vld [tilespmem:s20+$0x200]  }
0x151: {  	v27 =	vld [tilespmem:s20+$0x220];
	v1 =	vadd.f32 v23, v1;
	v0 =	vadd.f32 v24, v0  }
0x152: {  	v28 =	vld [tilespmem:s20+$0x240]  }
0x153: {  	v1 =	vadd.f32 v2, v1;
	v0 =	vadd.f32 v3, v0;
	v2 =	vld [tilespmem:s20+$0x260]  }
0x154: {  	v3 =	vld [tilespmem:s20+$0x280]  }
0x155: {  	v29 =	vld [tilespmem:s20+$0x2A0];
	v1 =	vadd.f32 v25, v1;
	v0 =	vadd.f32 v26, v0  }
0x156: {  	v30 =	vld [tilespmem:s20+$0x2C0]  }
0x157: {  	v31 =	vld [tilespmem:s20+$0x300];
	v1 =	vadd.f32 v27, v1;
	v0 =	vadd.f32 v28, v0  }
0x158: {  	v32 =	vld [tilespmem:s20+$0x2E0]  }
0x159: {  	v1 =	vadd.f32 v2, v1;
	v0 =	vadd.f32 v3, v0;
	_ =	sdelay $0x1  }
0x15a: {  	v1 =	vadd.f32 v29, v1;
	v0 =	vadd.f32 v30, v0;
	_ =	sdelay $0x1  }
0x15b: {  	v1 =	vadd.f32 v32, v1;
	v0 =	vadd.f32 v31, v0;
	_ =	sdelay $0x1  }
0x15c: {  	v0 =	vadd.f32 v0, v1  }
0x15d: {  	s22 =	simm.s32 $0x0  }
0x15e: {  	[tilespmem:s22+$0x19C80] =	vst v0  }
0x15f: {  	v0 =	vld [tilespmem:s20+$0xFFFFFCF0]  }
0x160: {  	v1 =	vld [tilespmem:s20+$0xFFFFFD10]  }
0x161: {  	v2 =	vld [tilespmem:s20+$0xFFFFFD50]  }
0x162: {  	v33 =	vld [tilespmem:s20+$0xFFFFFD30]  }
0x163: {  	v3 =	vld [tilespmem:s20+$0xFFFFFD90]  }
0x164: {  	v35 =	vld [tilespmem:s20+$0xFFFFFD70]  }
0x165: {  	v34 =	vld [tilespmem:s20+$0xFFFFFDD0]  }
0x166: {  	v36 =	vld [tilespmem:s20+$0xFFFFFDB0];
	v1 =	vadd.f32 v2, v1  }
0x167: {  	v2 =	vld [tilespmem:s20+$0xFFFFFE10];
	v0 =	vadd.f32 v33, v0  }
0x168: {  	v37 =	vld [tilespmem:s20+$0xFFFFFDF0];
	v1 =	vadd.f32 v3, v1  }
0x169: {  	v3 =	vld [tilespmem:s20+$0xFFFFFE50];
	v0 =	vadd.f32 v35, v0  }
0x16a: {  	v39 =	vld [tilespmem:s20+$0xFFFFFE30];
	v1 =	vadd.f32 v34, v1  }
0x16b: {  	v38 =	vld [tilespmem:s20+$0xFFFFFE90];
	v0 =	vadd.f32 v36, v0  }
0x16c: {  	v40 =	vld [tilespmem:s20+$0xFFFFFE70];
	v1 =	vadd.f32 v2, v1  }
0x16d: {  	v2 =	vld [tilespmem:s20+$0xFFFFFED0];
	v0 =	vadd.f32 v37, v0  }
0x16e: {  	v41 =	vld [tilespmem:s20+$0xFFFFFEB0];
	v1 =	vadd.f32 v3, v1  }
0x16f: {  	v3 =	vld [tilespmem:s20+$0xFFFFFF10];
	v0 =	vadd.f32 v39, v0  }
0x170: {  	v43 =	vld [tilespmem:s20+$0xFFFFFEF0];
	v1 =	vadd.f32 v38, v1  }
0x171: {  	v42 =	vld [tilespmem:s20+$0xFFFFFF50];
	v0 =	vadd.f32 v40, v0  }
0x172: {  	v44 =	vld [tilespmem:s20+$0xFFFFFF30];
	v1 =	vadd.f32 v2, v1  }
0x173: {  	v2 =	vld [tilespmem:s20+$0xFFFFFF90];
	v0 =	vadd.f32 v41, v0  }
0x174: {  	v45 =	vld [tilespmem:s20+$0xFFFFFF70];
	v1 =	vadd.f32 v3, v1  }
0x175: {  	v3 =	vld [tilespmem:s20+$0xFFFFFFD0];
	v0 =	vadd.f32 v43, v0  }
0x176: {  	v47 =	vld [tilespmem:s20+$0xFFFFFFB0];
	v1 =	vadd.f32 v42, v1  }
0x177: {  	v46 =	vld [tilespmem:s20+$0x10];
	v0 =	vadd.f32 v44, v0  }
0x178: {  	v48 =	vld [tilespmem:s20+$0xFFFFFFF0];
	v1 =	vadd.f32 v2, v1  }
0x179: {  	v2 =	vld [tilespmem:s20+$0x50];
	v0 =	vadd.f32 v45, v0  }
0x17a: {  	v49 =	vld [tilespmem:s20+$0x30];
	v1 =	vadd.f32 v3, v1  }
0x17b: {  	v3 =	vld [tilespmem:s20+$0x90];
	v0 =	vadd.f32 v47, v0  }
0x17c: {  	v51 =	vld [tilespmem:s20+$0x70];
	v1 =	vadd.f32 v46, v1  }
0x17d: {  	v50 =	vld [tilespmem:s20+$0xD0];
	v0 =	vadd.f32 v48, v0  }
0x17e: {  	v52 =	vld [tilespmem:s20+$0xB0];
	v1 =	vadd.f32 v2, v1  }
0x17f: {  	v2 =	vld [tilespmem:s20+$0x110];
	v0 =	vadd.f32 v49, v0  }
0x180: {  	v53 =	vld [tilespmem:s20+$0xF0];
	v1 =	vadd.f32 v3, v1  }
0x181: {  	v3 =	vld [tilespmem:s20+$0x150];
	v0 =	vadd.f32 v51, v0  }
0x182: {  	v55 =	vld [tilespmem:s20+$0x130];
	v1 =	vadd.f32 v50, v1  }
0x183: {  	v54 =	vld [tilespmem:s20+$0x190];
	v0 =	vadd.f32 v52, v0  }
0x184: {  	v56 =	vld [tilespmem:s20+$0x170];
	v1 =	vadd.f32 v2, v1  }
0x185: {  	v2 =	vld [tilespmem:s20+$0x1D0];
	v0 =	vadd.f32 v53, v0  }
0x186: {  	v57 =	vld [tilespmem:s20+$0x1B0];
	v1 =	vadd.f32 v3, v1  }
0x187: {  	v3 =	vld [tilespmem:s20+$0x210];
	v0 =	vadd.f32 v55, v0  }
0x188: {  	v59 =	vld [tilespmem:s20+$0x1F0];
	v1 =	vadd.f32 v54, v1  }
0x189: {  	v58 =	vld [tilespmem:s20+$0x250];
	v0 =	vadd.f32 v56, v0  }
0x18a: {  	v60 =	vld [tilespmem:s20+$0x230];
	v1 =	vadd.f32 v2, v1  }
0x18b: {  	v2 =	vld [tilespmem:s20+$0x290];
	v0 =	vadd.f32 v57, v0  }
0x18c: {  	v61 =	vld [tilespmem:s20+$0x270];
	v1 =	vadd.f32 v3, v1  }
0x18d: {  	v3 =	vld [tilespmem:s20+$0x2D0];
	v0 =	vadd.f32 v59, v0  }
0x18e: {  	v62 =	vld [tilespmem:s20+$0x310];
	v1 =	vadd.f32 v58, v1  }
0x18f: {  	v63 =	vld [tilespmem:s20+$0x2B0];
	v0 =	vadd.f32 v60, v0  }
0x190: {  	v1 =	vadd.f32 v2, v1  }
0x191: {  	v2 =	vadd.f32 v61, v0;
	v0 =	vld [tilespmem:s20+$0x2F0]  }
0x192: {  	v1 =	vadd.f32 v3, v1;
	_ =	sdelay $0x1  }
0x193: {  	s21 =	simm.s32 $0x80;
	v2 =	vadd.f32 v63, v2;
	v1 =	vadd.f32 v62, v1  }
.LBB2_8:
0x194: {  	p0 =	sne.s32 s21, $0xF80  }
0x195: {  	s20 =	sadd.s32 $0x640, s20;
	s23 =	smov.u32 s21;
	s21 =	sadd.s32 $0x80, s21;
	v0 =	vadd.f32 v0, v2  }
0x196: {  	_ = 	snop  }
0x197: {  	v0 =	vadd.f32 v1, v0;
	_ =	sdelay $0x1  }
0x198: {  	[tilespmem:s22+$0x19C90] =	vst v0  }
0x199: {  	v0 =	vld [tilespmem:s20+$0xFFFFFD40]  }
0x19a: {  	v1 =	vld [tilespmem:s20+$0xFFFFFCE0]  }
0x19b: {  	v2 =	vld [tilespmem:s20+$0xFFFFFD20]  }
0x19c: {  	v3 =	vld [tilespmem:s20+$0xFFFFFD00]  }
0x19d: {  	v4 =	vld [tilespmem:s20+$0xFFFFFD60]  }
0x19e: {  	v5 =	vld [tilespmem:s20+$0xFFFFFD80]  }
0x19f: {  	v6 =	vld [tilespmem:s20+$0xFFFFFDA0]  }
0x1a0: {  	v1 =	vadd.f32 v2, v1;
	v2 =	vld [tilespmem:s20+$0xFFFFFDC0]  }
0x1a1: {  	v0 =	vadd.f32 v0, v3;
	v3 =	vld [tilespmem:s20+$0xFFFFFDE0]  }
0x1a2: {  	v1 =	vadd.f32 v4, v1;
	v4 =	vld [tilespmem:s20+$0xFFFFFE00]  }
0x1a3: {  	v0 =	vadd.f32 v5, v0;
	v5 =	vld [tilespmem:s20+$0xFFFFFE20]  }
0x1a4: {  	v1 =	vadd.f32 v6, v1;
	v6 =	vld [tilespmem:s20+$0xFFFFFE40]  }
0x1a5: {  	v0 =	vadd.f32 v2, v0;
	v2 =	vld [tilespmem:s20+$0xFFFFFE60]  }
0x1a6: {  	v1 =	vadd.f32 v3, v1;
	v3 =	vld [tilespmem:s20+$0xFFFFFE80]  }
0x1a7: {  	v0 =	vadd.f32 v4, v0;
	v4 =	vld [tilespmem:s20+$0xFFFFFEA0]  }
0x1a8: {  	v1 =	vadd.f32 v5, v1;
	v5 =	vld [tilespmem:s20+$0xFFFFFEC0]  }
0x1a9: {  	v0 =	vadd.f32 v6, v0;
	v6 =	vld [tilespmem:s20+$0xFFFFFEE0]  }
0x1aa: {  	v1 =	vadd.f32 v2, v1;
	v2 =	vld [tilespmem:s20+$0xFFFFFF00]  }
0x1ab: {  	v0 =	vadd.f32 v3, v0;
	v3 =	vld [tilespmem:s20+$0xFFFFFF20]  }
0x1ac: {  	v1 =	vadd.f32 v4, v1;
	v4 =	vld [tilespmem:s20+$0xFFFFFF40]  }
0x1ad: {  	v0 =	vadd.f32 v5, v0;
	v5 =	vld [tilespmem:s20+$0xFFFFFF60]  }
0x1ae: {  	v1 =	vadd.f32 v6, v1;
	v6 =	vld [tilespmem:s20+$0xFFFFFF80]  }
0x1af: {  	v0 =	vadd.f32 v2, v0;
	v2 =	vld [tilespmem:s20+$0xFFFFFFA0]  }
0x1b0: {  	v1 =	vadd.f32 v3, v1;
	v3 =	vld [tilespmem:s20+$0xFFFFFFC0]  }
0x1b1: {  	v0 =	vadd.f32 v4, v0;
	v4 =	vld [tilespmem:s20+$0xFFFFFFE0]  }
0x1b2: {  	v1 =	vadd.f32 v5, v1;
	v5 =	vld [tilespmem:s20+$0x0]  }
0x1b3: {  	v0 =	vadd.f32 v6, v0;
	v6 =	vld [tilespmem:s20+$0x20]  }
0x1b4: {  	v1 =	vadd.f32 v2, v1;
	v2 =	vld [tilespmem:s20+$0x40]  }
0x1b5: {  	v0 =	vadd.f32 v3, v0;
	v3 =	vld [tilespmem:s20+$0x60]  }
0x1b6: {  	v1 =	vadd.f32 v4, v1;
	v4 =	vld [tilespmem:s20+$0x80]  }
0x1b7: {  	v0 =	vadd.f32 v5, v0;
	v5 =	vld [tilespmem:s20+$0xA0]  }
0x1b8: {  	v1 =	vadd.f32 v6, v1;
	v6 =	vld [tilespmem:s20+$0xC0]  }
0x1b9: {  	v0 =	vadd.f32 v2, v0;
	v2 =	vld [tilespmem:s20+$0xE0]  }
0x1ba: {  	v1 =	vadd.f32 v3, v1;
	v3 =	vld [tilespmem:s20+$0x100]  }
0x1bb: {  	v0 =	vadd.f32 v4, v0;
	v4 =	vld [tilespmem:s20+$0x120]  }
0x1bc: {  	v1 =	vadd.f32 v5, v1;
	v5 =	vld [tilespmem:s20+$0x140]  }
0x1bd: {  	v0 =	vadd.f32 v6, v0;
	v6 =	vld [tilespmem:s20+$0x160]  }
0x1be: {  	v1 =	vadd.f32 v2, v1;
	v2 =	vld [tilespmem:s20+$0x180]  }
0x1bf: {  	v0 =	vadd.f32 v3, v0;
	v3 =	vld [tilespmem:s20+$0x1A0]  }
0x1c0: {  	v1 =	vadd.f32 v4, v1;
	v4 =	vld [tilespmem:s20+$0x1C0]  }
0x1c1: {  	v0 =	vadd.f32 v5, v0;
	v5 =	vld [tilespmem:s20+$0x1E0]  }
0x1c2: {  	v1 =	vadd.f32 v6, v1;
	v6 =	vld [tilespmem:s20+$0x200]  }
0x1c3: {  	v0 =	vadd.f32 v2, v0;
	v2 =	vld [tilespmem:s20+$0x220]  }
0x1c4: {  	v1 =	vadd.f32 v3, v1;
	v3 =	vld [tilespmem:s20+$0x240]  }
0x1c5: {  	v0 =	vadd.f32 v4, v0;
	v4 =	vld [tilespmem:s20+$0x260]  }
0x1c6: {  	v1 =	vadd.f32 v5, v1;
	v5 =	vld [tilespmem:s20+$0x280]  }
0x1c7: {  	v0 =	vadd.f32 v6, v0;
	v6 =	vld [tilespmem:s20+$0x2A0]  }
0x1c8: {  	v1 =	vadd.f32 v2, v1;
	v2 =	vld [tilespmem:s20+$0x2C0]  }
0x1c9: {  	v0 =	vadd.f32 v3, v0;
	v3 =	vld [tilespmem:s20+$0x300]  }
0x1ca: {  	v1 =	vadd.f32 v4, v1;
	v4 =	vld [tilespmem:s20+$0x2E0]  }
0x1cb: {  	v0 =	vadd.f32 v5, v0  }
0x1cc: {  	v1 =	vadd.f32 v6, v1  }
0x1cd: {  	v0 =	vadd.f32 v2, v0;
	_ =	sdelay $0x1  }
0x1ce: {  	v1 =	vadd.f32 v4, v1;
	v0 =	vadd.f32 v3, v0;
	_ =	sdelay $0x1  }
0x1cf: {  	v0 =	vadd.f32 v0, v1  }
0x1d0: {  	s22 =	sshra.s32 s23, $0x2  }
0x1d1: {  	[tilespmem:s22+$0x19C80] =	vst v0  }
0x1d2: {  	v0 =	vld [tilespmem:s20+$0xFFFFFCF0]  }
0x1d3: {  	v1 =	vld [tilespmem:s20+$0xFFFFFD10]  }
0x1d4: {  	v2 =	vld [tilespmem:s20+$0xFFFFFD50]  }
0x1d5: {  	v3 =	vld [tilespmem:s20+$0xFFFFFD90]  }
0x1d6: {  	v4 =	vld [tilespmem:s20+$0xFFFFFD30]  }
0x1d7: {  	v5 =	vld [tilespmem:s20+$0xFFFFFDD0]  }
0x1d8: {  	v6 =	vld [tilespmem:s20+$0xFFFFFD70]  }
0x1d9: {  	v1 =	vadd.f32 v2, v1;
	v2 =	vld [tilespmem:s20+$0xFFFFFE10]  }
0x1da: {  	v7 =	vld [tilespmem:s20+$0xFFFFFDB0]  }
0x1db: {  	v0 =	vadd.f32 v4, v0;
	v1 =	vadd.f32 v3, v1;
	v3 =	vld [tilespmem:s20+$0xFFFFFE50]  }
0x1dc: {  	v4 =	vld [tilespmem:s20+$0xFFFFFDF0]  }
0x1dd: {  	v0 =	vadd.f32 v6, v0;
	v1 =	vadd.f32 v5, v1;
	v5 =	vld [tilespmem:s20+$0xFFFFFE90]  }
0x1de: {  	v6 =	vld [tilespmem:s20+$0xFFFFFE30]  }
0x1df: {  	v0 =	vadd.f32 v7, v0;
	v1 =	vadd.f32 v2, v1;
	v2 =	vld [tilespmem:s20+$0xFFFFFED0]  }
0x1e0: {  	v7 =	vld [tilespmem:s20+$0xFFFFFE70]  }
0x1e1: {  	v0 =	vadd.f32 v4, v0;
	v1 =	vadd.f32 v3, v1;
	v3 =	vld [tilespmem:s20+$0xFFFFFF10]  }
0x1e2: {  	v4 =	vld [tilespmem:s20+$0xFFFFFEB0]  }
0x1e3: {  	v0 =	vadd.f32 v6, v0;
	v1 =	vadd.f32 v5, v1;
	v5 =	vld [tilespmem:s20+$0xFFFFFF50]  }
0x1e4: {  	v6 =	vld [tilespmem:s20+$0xFFFFFEF0]  }
0x1e5: {  	v0 =	vadd.f32 v7, v0;
	v1 =	vadd.f32 v2, v1;
	v2 =	vld [tilespmem:s20+$0xFFFFFF90]  }
0x1e6: {  	v7 =	vld [tilespmem:s20+$0xFFFFFF30]  }
0x1e7: {  	v0 =	vadd.f32 v4, v0;
	v1 =	vadd.f32 v3, v1;
	v3 =	vld [tilespmem:s20+$0xFFFFFFD0]  }
0x1e8: {  	v4 =	vld [tilespmem:s20+$0xFFFFFF70]  }
0x1e9: {  	v0 =	vadd.f32 v6, v0;
	v1 =	vadd.f32 v5, v1;
	v5 =	vld [tilespmem:s20+$0x10]  }
0x1ea: {  	v6 =	vld [tilespmem:s20+$0xFFFFFFB0]  }
0x1eb: {  	v0 =	vadd.f32 v7, v0;
	v1 =	vadd.f32 v2, v1;
	v2 =	vld [tilespmem:s20+$0x50]  }
0x1ec: {  	v7 =	vld [tilespmem:s20+$0xFFFFFFF0]  }
0x1ed: {  	v0 =	vadd.f32 v4, v0;
	v1 =	vadd.f32 v3, v1;
	v3 =	vld [tilespmem:s20+$0x90]  }
0x1ee: {  	v4 =	vld [tilespmem:s20+$0x30]  }
0x1ef: {  	v0 =	vadd.f32 v6, v0;
	v1 =	vadd.f32 v5, v1;
	v5 =	vld [tilespmem:s20+$0xD0]  }
0x1f0: {  	v6 =	vld [tilespmem:s20+$0x70]  }
0x1f1: {  	v0 =	vadd.f32 v7, v0;
	v1 =	vadd.f32 v2, v1;
	v2 =	vld [tilespmem:s20+$0x110]  }
0x1f2: {  	v7 =	vld [tilespmem:s20+$0xB0]  }
0x1f3: {  	v0 =	vadd.f32 v4, v0;
	v1 =	vadd.f32 v3, v1;
	v3 =	vld [tilespmem:s20+$0x150]  }
0x1f4: {  	v4 =	vld [tilespmem:s20+$0xF0]  }
0x1f5: {  	v0 =	vadd.f32 v6, v0;
	v1 =	vadd.f32 v5, v1;
	v5 =	vld [tilespmem:s20+$0x190]  }
0x1f6: {  	v6 =	vld [tilespmem:s20+$0x130]  }
0x1f7: {  	v0 =	vadd.f32 v7, v0;
	v1 =	vadd.f32 v2, v1;
	v2 =	vld [tilespmem:s20+$0x1D0]  }
0x1f8: {  	v7 =	vld [tilespmem:s20+$0x170]  }
0x1f9: {  	v0 =	vadd.f32 v4, v0;
	v1 =	vadd.f32 v3, v1;
	v3 =	vld [tilespmem:s20+$0x210]  }
0x1fa: {  	v4 =	vld [tilespmem:s20+$0x1B0]  }
0x1fb: {  	v0 =	vadd.f32 v6, v0;
	v1 =	vadd.f32 v5, v1;
	v5 =	vld [tilespmem:s20+$0x250]  }
0x1fc: {  	v6 =	vld [tilespmem:s20+$0x1F0]  }
0x1fd: {  	v0 =	vadd.f32 v7, v0;
	v1 =	vadd.f32 v2, v1;
	v2 =	vld [tilespmem:s20+$0x290]  }
0x1fe: {  	v7 =	vld [tilespmem:s20+$0x230]  }
0x1ff: {  	v0 =	vadd.f32 v4, v0;
	v1 =	vadd.f32 v3, v1;
	v3 =	vld [tilespmem:s20+$0x2D0]  }
0x200: {  	v4 =	vld [tilespmem:s20+$0x270]  }
0x201: {  	v0 =	vadd.f32 v6, v0;
	v1 =	vadd.f32 v5, v1;
	v5 =	vld [tilespmem:s20+$0x310]  }
0x202: {  	v6 =	vld [tilespmem:s20+$0x2B0]  }
.Ltmp7:
0x203: {  	v7 =	vadd.f32 v7, v0;
	v1 =	vadd.f32 v2, v1;
	(pc) =	sbr.rel @p0 .LBB2_8-.Ltmp7, $3  }
0x204: {  	v0 =	vld [tilespmem:s20+$0x2F0]  }
0x205: {  	v2 =	vadd.f32 v4, v7;
	v1 =	vadd.f32 v3, v1;
	_ =	sdelay $0x1  }
0x206: {  	v2 =	vadd.f32 v6, v2;
	v1 =	vadd.f32 v5, v1  }
0x207: {  	_ = 	snop  }
0x208: {  	v0 =	vadd.f32 v0, v2;
	_ =	sdelay $0x1  }
0x209: {  	v0 =	vadd.f32 v1, v0  }
0x20a: {  	s19 =	sshll.u32 s19, $0x7  }
.Ltmp8:
0x20b: {  	s19 =	sadd.s32 s19, s7;
	[tilespmem:s22+$0x19C90] =	vst v0;
	(pc) =	sbr.rel .LBB2_10-.Ltmp8, $4  }
0x20c: {  	[hbm4b:s19+s3] =	stream.linear.scatter [tilespmem:s15], [sflag:$0x3], $0x400, $0x38;
	[tilespmem:$0x1A080] =	vst v63  }
0x20d: {  	_ =	swait.ge [sflag:s9], $0x400  }
0x20e: {  	[sflag:s9] =	ssyncset.done $0x0  }
0x20f: {  	[sflag:s9] =	ssyncadd.s32 $0xFFFFFC00  }
.LBB2_12:
0x210: {  	_ =	sfence.sel $0x180000  }
0x211: {  	[bflag:$0x0] =	sbarrier.arrive $0xFFFF  }
0x212: {  	p0 =	sne.s32 s2, $0x0;
	_ =	strace $0x90000047  }
0x213: {  	s0 =	sadd.s32 @!p0 $0x100000, s0;
	[bflag:$0x2] =	sbarrier.arrive $0xFFFF  }
0x214: {  	[sflag:s0] =	ssyncadd.tile.s32 @!p0 $0x1;
	_ =	shalt  }
.Lfunc_end2:
_tile_overlayer_lowered:
.L_overlay_start_2:
0x215: {  	(tag) =	ssettag $0x2  }
0x216: {  	s0 =	rddreg [dreg:$0x0];
	s2 =	stileid.u32  }
0x217: {  	s1 =	rddreg [dreg:$0x1];
	p0 =	sne.s32 s2, $0x0  }
0x218: {  	s3 =	rddreg [dreg:$0x2];
	[bflag:$0x3] =	sbarrier.arrive $0xFFFF;
	s2 =	simm.s32 @!p0 $0x1C03  }
0x219: {  	[timem:s3], [sflag:s2] =	dma.local @!p0 [hbm:s0], s1  }
0x21a: {  	s0 =	simm.s32 @!p0 $0x3  }
0x21b: {  	_ =	swait.ge @!p0 [sflag:s0], s1  }
0x21c: {  	s1 =	ssub.s32 @!p0 $0x0, s1;
	[sflag:s0] =	ssyncset.done @!p0 $0x0  }
0x21d: {  	[sflag:s0] =	ssyncadd.s32 @!p0 s1  }
0x21e: {  	[bflag:$0x3] =	sbarrier.arrive $0xFFFF  }
0x21f: {  	_ =	shalt  }

</sc_bundles>
